<compile_context>
chip_gen: v7x
topology: tpu7x:2x2x1
jax: 0.10.2.dev20260603
libtpu: 0.0.44.dev20260713+nightly
codegen_flags: <defaults>
</compile_context>

<pallas_src>
import jax
import jax.numpy as jnp
from jax import lax
from jax.experimental import pallas as pl
from jax.experimental.pallas import tpu as pltpu
from jax.experimental.pallas import tpu_sc as plsc

L = 16
NBUF = 2
SH = 8


def kernel(x, pos_table, act_table):
    bs, n, c = x.shape
    np1 = pos_table.shape[0]
    na = act_table.shape[0]
    nr = np1 + na
    ns = np1 + SH - 1
    ntl = na - SH + 1
    assert np1 == n + 1 and act_table.shape[1] == c and c % L == 0
    nv = c // L
    nap = -(-(na + 1) // SH) * SH

    mesh = plsc.VectorSubcoreMesh(core_axis_name="c", subcore_axis_name="s")
    nw = mesh.num_cores * mesh.num_subcores
    assert bs % nw == 0
    nb = bs // nw

    def body(x_hbm, pos_hbm, posr_hbm, act_hbm, out_hbm,
             pos_v, x0, x1, s0, s1, act_sh,
             si0, si1, so0, so1, sa):
        xbufs = [x0, x1]
        slabs = [s0, s1]
        sin = [si0, si1]
        sout = [so0, so1]
        wid = lax.axis_index("s") * mesh.num_cores + lax.axis_index("c")
        sid = lax.axis_index("s")
        base = wid * nb

        pltpu.sync_copy(posr_hbm, pos_v)
        for p in range(NBUF):
            pltpu.sync_copy(pos_hbm.at[pl.ds(0, SH)],
                            slabs[p].at[pl.ds(0, SH)])

        @pl.when(sid == 0)
        def _():
            pltpu.sync_copy(act_hbm, act_sh)
        plsc.subcore_barrier()
        for p in range(NBUF):
            pltpu.sync_copy(act_sh.at[pl.ds(0, SH)],
                            slabs[p].at[pl.ds(np1 - 1, SH)])

        def in_desc(p, i):
            return pltpu.make_async_copy(
                x_hbm.at[base + i], xbufs[p], sin[p])

        def out_desc(p, i):
            return pltpu.make_async_copy(
                slabs[p], out_hbm.at[base + i, pl.ds(0, ns)], sout[p])

        def tail_desc(i):
            return pltpu.make_async_copy(
                act_sh.at[pl.ds(SH, ntl)],
                out_hbm.at[base + i, pl.ds(ns, ntl)], sa)

        def step(k, p):
            tail_desc(k).start()
            in_desc(p, k).wait()
            if isinstance(k, int):
                if k >= NBUF:
                    out_desc(p, k - NBUF).wait()
            else:
                @pl.when(k >= NBUF)
                def _():
                    out_desc(p, k - NBUF).wait()

            xbuf = xbufs[p]
            slab = slabs[p]

            @plsc.parallel_loop(0, n, unroll=4)
            def _(j):
                for jj in range(nv):
                    s = pl.ds(jj * L, L)
                    slab[j + 1, s] = xbuf[j, s] + pos_v[j, s]

            if isinstance(k, int):
                if k + NBUF < nb:
                    in_desc(p, k + NBUF).start()
            else:
                @pl.when(k + NBUF < nb)
                def _():
                    in_desc(p, k + NBUF).start()
            out_desc(p, k).start()

        for p in range(NBUF):
            in_desc(p, p).start()

        nloop = (nb // NBUF) * NBUF

        @pl.loop(0, nloop, step=NBUF)
        def _(g):
            for p in range(NBUF):
                step(g + p, p)

        for k in range(nloop, nb):
            step(k, k % NBUF)

        for p in range(NBUF):
            out_desc(p, nb - NBUF + p).wait()
        for i in range(nb):
            tail_desc(i).wait()

    call = pl.kernel(
        body,
        out_type=jax.ShapeDtypeStruct((bs, nr, c), jnp.float32),
        mesh=mesh,
        scratch_types=[
            pltpu.VMEM((n, c), jnp.float32),
            pltpu.VMEM((n, c), jnp.float32),
            pltpu.VMEM((n, c), jnp.float32),
            pltpu.VMEM((ns, c), jnp.float32),
            pltpu.VMEM((ns, c), jnp.float32),
            pltpu.VMEM_SHARED((nap, c), jnp.float32),
        ] + [pltpu.SemaphoreType.DMA] * (2 * NBUF + 1),
        compiler_params=pltpu.CompilerParams(use_tc_tiling_on_sc=True),
    )

    act_pad = jnp.pad(act_table, ((1, nap - na - 1), (0, 0)))
    return call(x, pos_table, pos_table[1:], act_pad)

# --- scband reference (transcript-rebuilt; emitter-appended) ---
"""Pipeline reference for scband-embedding-89069031784858 (READ-ONLY COPY).

The authoritative reference and input builder live on the scoring server;
editing this copy changes nothing except your own understanding.
"""

import jax, jax.numpy as jnp
import numpy as np


def setup_inputs(seed: int = 0) -> dict:
    key = jax.random.key(seed)
    k1, k2, k3 = jax.random.split(key, 3)
    # forward input per input_specs
    x = jax.random.normal(k1, (1024, 200, 128), dtype=jnp.float32)
    # learned parameters per init_kwargs: n_embeds=200 -> pos table (n_embeds+1, embed_dim)
    pos_table = jax.random.normal(k2, (201, 128), dtype=jnp.float32) * 0.02
    # action embedding table: (n_actions, embed_dim)
    act_table = jax.random.normal(k3, (100, 128), dtype=jnp.float32) * 0.02
    return {"x": x, "pos_table": pos_table, "act_table": act_table}


def reference(x, pos_table, act_table):
    bs, n, c = x.shape
    # pos_embed = pos_embeds(arange(n+1)) -> embedding gather
    pos_idx = jnp.arange(n + 1)
    pos_embed = jnp.take(pos_table, pos_idx, axis=0)          # [n+1, c]
    pos_embed = jnp.broadcast_to(pos_embed[None, :, :], (bs, n + 1, c))
    # prepend a zero token then add positional embeddings
    x_cat = jnp.concatenate([jnp.zeros((bs, 1, c), dtype=x.dtype), x], axis=1)
    x_cat = x_cat + pos_embed
    # action embeddings: act_embeds(arange(n_actions)) -> embedding gather
    n_actions = act_table.shape[0]
    act_idx = jnp.arange(n_actions)
    act_embed = jnp.take(act_table, act_idx, axis=0)          # [n_actions, c]
    act_embed = jnp.broadcast_to(act_embed[None, :, :], (bs, n_actions, c))
    out = jnp.concatenate([x_cat, act_embed], axis=1)         # [bs, n+1+n_actions, c]
    return out

if __name__ == "__main__":
    import jax
    _d = setup_inputs()
    print(jax.jit(kernel)(*tuple(_d.values())))

</pallas_src>

<mosaic_0001>
#map = affine_map<(d0, d1) -> (0, 0, 0)>
#map1 = affine_map<(d0, d1) -> (0, 0)>
module attributes {stable_mosaic.version = 14 : i64} {
  func.func @body(%arg0: i32, %arg1: i32, %arg2: memref<1024x200x128xf32, #tpu.memory_space<hbm>>, %arg3: memref<201x128xf32, #tpu.memory_space<hbm>>, %arg4: memref<200x128xf32, #tpu.memory_space<hbm>>, %arg5: memref<104x128xf32, #tpu.memory_space<hbm>>, %arg6: memref<1024x301x128xf32, #tpu.memory_space<hbm>>, %arg7: memref<200x128xf32, #tpu.memory_space<vmem>>, %arg8: memref<200x128xf32, #tpu.memory_space<vmem>>, %arg9: memref<200x128xf32, #tpu.memory_space<vmem>>, %arg10: memref<208x128xf32, #tpu.memory_space<vmem>>, %arg11: memref<208x128xf32, #tpu.memory_space<vmem>>, %arg12: memref<104x128xf32, #tpu.memory_space<vmem_shared>>, %arg13: memref<!tpu.dma_semaphore, #tpu.memory_space<semaphore_mem>>, %arg14: memref<!tpu.dma_semaphore, #tpu.memory_space<semaphore_mem>>, %arg15: memref<!tpu.dma_semaphore, #tpu.memory_space<semaphore_mem>>, %arg16: memref<!tpu.dma_semaphore, #tpu.memory_space<semaphore_mem>>, %arg17: memref<!tpu.dma_semaphore, #tpu.memory_space<semaphore_mem>>) attributes {dimension_semantics = [#tpu.dimension_semantics<core_parallel>, #tpu.dimension_semantics<subcore_parallel>], iteration_bounds = array<i64: 2, 16>, scalar_prefetch = 0 : i64, scratch_operands = 11 : i64, tpu.core_type = #tpu.core_type<sc_vector_subcore>, window_params = [{transform_indices = #map}, {transform_indices = #map1}, {transform_indices = #map1}, {transform_indices = #map1}, {transform_indices = #map}]} {
    %mul3A = arith.constant 2 : i32
    %mul3A_0 = arith.muli %arg1, %mul3A : i32
    %add3A = arith.addi %mul3A_0, %arg0 : i32
    %mul3A_1 = arith.constant 32 : i32
    %mul3A_2 = arith.muli %add3A, %mul3A_1 : i32
    "tpu.region"() ({
      %run_scoped3A = tpu.sem_alloc : memref<!tpu.dma_semaphore, #tpu.memory_space<semaphore_mem>>
      tpu.enqueue_dma source(%arg4 : memref<200x128xf32, #tpu.memory_space<hbm>>) target(%arg7 : memref<200x128xf32, #tpu.memory_space<vmem>>) target_semaphore(%run_scoped3A : memref<!tpu.dma_semaphore, #tpu.memory_space<semaphore_mem>>)
      tpu.wait_dma2 semaphore(%run_scoped3A : memref<!tpu.dma_semaphore, #tpu.memory_space<semaphore_mem>>) src(%arg4 : memref<200x128xf32, #tpu.memory_space<hbm>>) dst(%arg7 : memref<200x128xf32, #tpu.memory_space<vmem>>)
      tpu.yield
    }) : () -> ()
    "tpu.region"() ({
      %run_scoped3A = tpu.sem_alloc : memref<!tpu.dma_semaphore, #tpu.memory_space<semaphore_mem>>
      %dma_start3A_335 = arith.constant 0 : i32
      %dma_start3A_336 = arith.constant 0 : i32
      %dma_start3A_337 = tpu.memref_slice %arg10[%dma_start3A_335, %dma_start3A_336] : memref<208x128xf32, #tpu.memory_space<vmem>> -> memref<8x128xf32, #tpu.memory_space<vmem>>
      %dma_start3A_338 = arith.constant 0 : i32
      %dma_start3A_339 = arith.constant 0 : i32
      %dma_start3A_340 = tpu.memref_slice %arg3[%dma_start3A_338, %dma_start3A_339] : memref<201x128xf32, #tpu.memory_space<hbm>> -> memref<8x128xf32, #tpu.memory_space<hbm>>
      %dma_start3A_341 = arith.constant 0 : i32
      %dma_start3A_342 = arith.constant 0 : i32
      %dma_start3A_343 = tpu.memref_slice %arg10[%dma_start3A_341, %dma_start3A_342] : memref<208x128xf32, #tpu.memory_space<vmem>> -> memref<8x128xf32, #tpu.memory_space<vmem>>
      %dma_start3A_344 = arith.constant 0 : i32
      %dma_start3A_345 = arith.constant 0 : i32
      %dma_start3A_346 = tpu.memref_slice %arg3[%dma_start3A_344, %dma_start3A_345] : memref<201x128xf32, #tpu.memory_space<hbm>> -> memref<8x128xf32, #tpu.memory_space<hbm>>
      tpu.enqueue_dma source(%dma_start3A_346 : memref<8x128xf32, #tpu.memory_space<hbm>>) target(%dma_start3A_343 : memref<8x128xf32, #tpu.memory_space<vmem>>) target_semaphore(%run_scoped3A : memref<!tpu.dma_semaphore, #tpu.memory_space<semaphore_mem>>)
      %dma_wait3A_347 = arith.constant 0 : i32
      %dma_wait3A_348 = arith.constant 0 : i32
      %dma_wait3A_349 = tpu.memref_slice %arg10[%dma_wait3A_347, %dma_wait3A_348] : memref<208x128xf32, #tpu.memory_space<vmem>> -> memref<8x128xf32, #tpu.memory_space<vmem>>
      %dma_wait3A_350 = arith.constant 0 : i32
      %dma_wait3A_351 = arith.constant 0 : i32
      %dma_wait3A_352 = tpu.memref_slice %arg3[%dma_wait3A_350, %dma_wait3A_351] : memref<201x128xf32, #tpu.memory_space<hbm>> -> memref<8x128xf32, #tpu.memory_space<hbm>>
      %dma_wait3A_353 = arith.constant 0 : i32
      %dma_wait3A_354 = arith.constant 0 : i32
      %dma_wait3A_355 = tpu.memref_slice %arg10[%dma_wait3A_353, %dma_wait3A_354] : memref<208x128xf32, #tpu.memory_space<vmem>> -> memref<8x128xf32, #tpu.memory_space<vmem>>
      %dma_wait3A_356 = arith.constant 0 : i32
      %dma_wait3A_357 = arith.constant 0 : i32
      %dma_wait3A_358 = tpu.memref_slice %arg3[%dma_wait3A_356, %dma_wait3A_357] : memref<201x128xf32, #tpu.memory_space<hbm>> -> memref<8x128xf32, #tpu.memory_space<hbm>>
      tpu.wait_dma2 semaphore(%run_scoped3A : memref<!tpu.dma_semaphore, #tpu.memory_space<semaphore_mem>>) src(%dma_wait3A_358 : memref<8x128xf32, #tpu.memory_space<hbm>>) dst(%dma_wait3A_355 : memref<8x128xf32, #tpu.memory_space<vmem>>)
      tpu.yield
    }) : () -> ()
    "tpu.region"() ({
      %run_scoped3A = tpu.sem_alloc : memref<!tpu.dma_semaphore, #tpu.memory_space<semaphore_mem>>
      %dma_start3A_335 = arith.constant 0 : i32
      %dma_start3A_336 = arith.constant 0 : i32
      %dma_start3A_337 = tpu.memref_slice %arg11[%dma_start3A_335, %dma_start3A_336] : memref<208x128xf32, #tpu.memory_space<vmem>> -> memref<8x128xf32, #tpu.memory_space<vmem>>
      %dma_start3A_338 = arith.constant 0 : i32
      %dma_start3A_339 = arith.constant 0 : i32
      %dma_start3A_340 = tpu.memref_slice %arg3[%dma_start3A_338, %dma_start3A_339] : memref<201x128xf32, #tpu.memory_space<hbm>> -> memref<8x128xf32, #tpu.memory_space<hbm>>
      %dma_start3A_341 = arith.constant 0 : i32
      %dma_start3A_342 = arith.constant 0 : i32
      %dma_start3A_343 = tpu.memref_slice %arg11[%dma_start3A_341, %dma_start3A_342] : memref<208x128xf32, #tpu.memory_space<vmem>> -> memref<8x128xf32, #tpu.memory_space<vmem>>
      %dma_start3A_344 = arith.constant 0 : i32
      %dma_start3A_345 = arith.constant 0 : i32
      %dma_start3A_346 = tpu.memref_slice %arg3[%dma_start3A_344, %dma_start3A_345] : memref<201x128xf32, #tpu.memory_space<hbm>> -> memref<8x128xf32, #tpu.memory_space<hbm>>
      tpu.enqueue_dma source(%dma_start3A_346 : memref<8x128xf32, #tpu.memory_space<hbm>>) target(%dma_start3A_343 : memref<8x128xf32, #tpu.memory_space<vmem>>) target_semaphore(%run_scoped3A : memref<!tpu.dma_semaphore, #tpu.memory_space<semaphore_mem>>)
      %dma_wait3A_347 = arith.constant 0 : i32
      %dma_wait3A_348 = arith.constant 0 : i32
      %dma_wait3A_349 = tpu.memref_slice %arg11[%dma_wait3A_347, %dma_wait3A_348] : memref<208x128xf32, #tpu.memory_space<vmem>> -> memref<8x128xf32, #tpu.memory_space<vmem>>
      %dma_wait3A_350 = arith.constant 0 : i32
      %dma_wait3A_351 = arith.constant 0 : i32
      %dma_wait3A_352 = tpu.memref_slice %arg3[%dma_wait3A_350, %dma_wait3A_351] : memref<201x128xf32, #tpu.memory_space<hbm>> -> memref<8x128xf32, #tpu.memory_space<hbm>>
      %dma_wait3A_353 = arith.constant 0 : i32
      %dma_wait3A_354 = arith.constant 0 : i32
      %dma_wait3A_355 = tpu.memref_slice %arg11[%dma_wait3A_353, %dma_wait3A_354] : memref<208x128xf32, #tpu.memory_space<vmem>> -> memref<8x128xf32, #tpu.memory_space<vmem>>
      %dma_wait3A_356 = arith.constant 0 : i32
      %dma_wait3A_357 = arith.constant 0 : i32
      %dma_wait3A_358 = tpu.memref_slice %arg3[%dma_wait3A_356, %dma_wait3A_357] : memref<201x128xf32, #tpu.memory_space<hbm>> -> memref<8x128xf32, #tpu.memory_space<hbm>>
      tpu.wait_dma2 semaphore(%run_scoped3A : memref<!tpu.dma_semaphore, #tpu.memory_space<semaphore_mem>>) src(%dma_wait3A_358 : memref<8x128xf32, #tpu.memory_space<hbm>>) dst(%dma_wait3A_355 : memref<8x128xf32, #tpu.memory_space<vmem>>)
      tpu.yield
    }) : () -> ()
    %eq3A = arith.constant 0 : i32
    %eq3A_3 = arith.cmpi eq, %arg1, %eq3A : i32
    %convert_element_type3A = arith.extui %eq3A_3 : i1 to i32
    %cond3A = arith.constant 0 : i32
    %cond3A_4 = arith.cmpi ne, %convert_element_type3A, %cond3A : i32
    scf.if %cond3A_4 {
      "tpu.region"() ({
        %run_scoped3A = tpu.sem_alloc : memref<!tpu.dma_semaphore, #tpu.memory_space<semaphore_mem>>
        tpu.enqueue_dma source(%arg5 : memref<104x128xf32, #tpu.memory_space<hbm>>) target(%arg12 : memref<104x128xf32, #tpu.memory_space<vmem_shared>>) target_semaphore(%run_scoped3A : memref<!tpu.dma_semaphore, #tpu.memory_space<semaphore_mem>>)
        tpu.wait_dma2 semaphore(%run_scoped3A : memref<!tpu.dma_semaphore, #tpu.memory_space<semaphore_mem>>) src(%arg5 : memref<104x128xf32, #tpu.memory_space<hbm>>) dst(%arg12 : memref<104x128xf32, #tpu.memory_space<vmem_shared>>)
        tpu.yield
      }) : () -> ()
    } else {
    }
    %barrier3A = arith.constant 0 : index
    tpu.barrier barrier_id(%barrier3A)
    "tpu.region"() ({
      %run_scoped3A = tpu.sem_alloc : memref<!tpu.dma_semaphore, #tpu.memory_space<semaphore_mem>>
      %dma_start3A_335 = arith.constant 200 : i32
      %dma_start3A_336 = arith.constant 0 : i32
      %dma_start3A_337 = tpu.memref_slice %arg10[%dma_start3A_335, %dma_start3A_336] : memref<208x128xf32, #tpu.memory_space<vmem>> -> memref<8x128xf32, #tpu.memory_space<vmem>>
      %dma_start3A_338 = arith.constant 0 : i32
      %dma_start3A_339 = arith.constant 0 : i32
      %dma_start3A_340 = tpu.memref_slice %arg12[%dma_start3A_338, %dma_start3A_339] : memref<104x128xf32, #tpu.memory_space<vmem_shared>> -> memref<8x128xf32, #tpu.memory_space<vmem_shared>>
      %dma_start3A_341 = arith.constant 200 : i32
      %dma_start3A_342 = arith.constant 0 : i32
      %dma_start3A_343 = tpu.memref_slice %arg10[%dma_start3A_341, %dma_start3A_342] : memref<208x128xf32, #tpu.memory_space<vmem>> -> memref<8x128xf32, #tpu.memory_space<vmem>>
      %dma_start3A_344 = arith.constant 0 : i32
      %dma_start3A_345 = arith.constant 0 : i32
      %dma_start3A_346 = tpu.memref_slice %arg12[%dma_start3A_344, %dma_start3A_345] : memref<104x128xf32, #tpu.memory_space<vmem_shared>> -> memref<8x128xf32, #tpu.memory_space<vmem_shared>>
      tpu.enqueue_dma source(%dma_start3A_346 : memref<8x128xf32, #tpu.memory_space<vmem_shared>>) target(%dma_start3A_343 : memref<8x128xf32, #tpu.memory_space<vmem>>) target_semaphore(%run_scoped3A : memref<!tpu.dma_semaphore, #tpu.memory_space<semaphore_mem>>)
      %dma_wait3A_347 = arith.constant 200 : i32
      %dma_wait3A_348 = arith.constant 0 : i32
      %dma_wait3A_349 = tpu.memref_slice %arg10[%dma_wait3A_347, %dma_wait3A_348] : memref<208x128xf32, #tpu.memory_space<vmem>> -> memref<8x128xf32, #tpu.memory_space<vmem>>
      %dma_wait3A_350 = arith.constant 0 : i32
      %dma_wait3A_351 = arith.constant 0 : i32
      %dma_wait3A_352 = tpu.memref_slice %arg12[%dma_wait3A_350, %dma_wait3A_351] : memref<104x128xf32, #tpu.memory_space<vmem_shared>> -> memref<8x128xf32, #tpu.memory_space<vmem_shared>>
      %dma_wait3A_353 = arith.constant 200 : i32
      %dma_wait3A_354 = arith.constant 0 : i32
      %dma_wait3A_355 = tpu.memref_slice %arg10[%dma_wait3A_353, %dma_wait3A_354] : memref<208x128xf32, #tpu.memory_space<vmem>> -> memref<8x128xf32, #tpu.memory_space<vmem>>
      %dma_wait3A_356 = arith.constant 0 : i32
      %dma_wait3A_357 = arith.constant 0 : i32
      %dma_wait3A_358 = tpu.memref_slice %arg12[%dma_wait3A_356, %dma_wait3A_357] : memref<104x128xf32, #tpu.memory_space<vmem_shared>> -> memref<8x128xf32, #tpu.memory_space<vmem_shared>>
      tpu.wait_dma2 semaphore(%run_scoped3A : memref<!tpu.dma_semaphore, #tpu.memory_space<semaphore_mem>>) src(%dma_wait3A_358 : memref<8x128xf32, #tpu.memory_space<vmem_shared>>) dst(%dma_wait3A_355 : memref<8x128xf32, #tpu.memory_space<vmem>>)
      tpu.yield
    }) : () -> ()
    "tpu.region"() ({
      %run_scoped3A = tpu.sem_alloc : memref<!tpu.dma_semaphore, #tpu.memory_space<semaphore_mem>>
      %dma_start3A_335 = arith.constant 200 : i32
      %dma_start3A_336 = arith.constant 0 : i32
      %dma_start3A_337 = tpu.memref_slice %arg11[%dma_start3A_335, %dma_start3A_336] : memref<208x128xf32, #tpu.memory_space<vmem>> -> memref<8x128xf32, #tpu.memory_space<vmem>>
      %dma_start3A_338 = arith.constant 0 : i32
      %dma_start3A_339 = arith.constant 0 : i32
      %dma_start3A_340 = tpu.memref_slice %arg12[%dma_start3A_338, %dma_start3A_339] : memref<104x128xf32, #tpu.memory_space<vmem_shared>> -> memref<8x128xf32, #tpu.memory_space<vmem_shared>>
      %dma_start3A_341 = arith.constant 200 : i32
      %dma_start3A_342 = arith.constant 0 : i32
      %dma_start3A_343 = tpu.memref_slice %arg11[%dma_start3A_341, %dma_start3A_342] : memref<208x128xf32, #tpu.memory_space<vmem>> -> memref<8x128xf32, #tpu.memory_space<vmem>>
      %dma_start3A_344 = arith.constant 0 : i32
      %dma_start3A_345 = arith.constant 0 : i32
      %dma_start3A_346 = tpu.memref_slice %arg12[%dma_start3A_344, %dma_start3A_345] : memref<104x128xf32, #tpu.memory_space<vmem_shared>> -> memref<8x128xf32, #tpu.memory_space<vmem_shared>>
      tpu.enqueue_dma source(%dma_start3A_346 : memref<8x128xf32, #tpu.memory_space<vmem_shared>>) target(%dma_start3A_343 : memref<8x128xf32, #tpu.memory_space<vmem>>) target_semaphore(%run_scoped3A : memref<!tpu.dma_semaphore, #tpu.memory_space<semaphore_mem>>)
      %dma_wait3A_347 = arith.constant 200 : i32
      %dma_wait3A_348 = arith.constant 0 : i32
      %dma_wait3A_349 = tpu.memref_slice %arg11[%dma_wait3A_347, %dma_wait3A_348] : memref<208x128xf32, #tpu.memory_space<vmem>> -> memref<8x128xf32, #tpu.memory_space<vmem>>
      %dma_wait3A_350 = arith.constant 0 : i32
      %dma_wait3A_351 = arith.constant 0 : i32
      %dma_wait3A_352 = tpu.memref_slice %arg12[%dma_wait3A_350, %dma_wait3A_351] : memref<104x128xf32, #tpu.memory_space<vmem_shared>> -> memref<8x128xf32, #tpu.memory_space<vmem_shared>>
      %dma_wait3A_353 = arith.constant 200 : i32
      %dma_wait3A_354 = arith.constant 0 : i32
      %dma_wait3A_355 = tpu.memref_slice %arg11[%dma_wait3A_353, %dma_wait3A_354] : memref<208x128xf32, #tpu.memory_space<vmem>> -> memref<8x128xf32, #tpu.memory_space<vmem>>
      %dma_wait3A_356 = arith.constant 0 : i32
      %dma_wait3A_357 = arith.constant 0 : i32
      %dma_wait3A_358 = tpu.memref_slice %arg12[%dma_wait3A_356, %dma_wait3A_357] : memref<104x128xf32, #tpu.memory_space<vmem_shared>> -> memref<8x128xf32, #tpu.memory_space<vmem_shared>>
      tpu.wait_dma2 semaphore(%run_scoped3A : memref<!tpu.dma_semaphore, #tpu.memory_space<semaphore_mem>>) src(%dma_wait3A_358 : memref<8x128xf32, #tpu.memory_space<vmem_shared>>) dst(%dma_wait3A_355 : memref<8x128xf32, #tpu.memory_space<vmem>>)
      tpu.yield
    }) : () -> ()
    %add3A_5 = arith.constant 0 : i32
    %add3A_6 = arith.addi %mul3A_2, %add3A_5 : i32
    %dma_start3A = arith.constant 0 : i32
    %dma_start3A_7 = arith.constant 0 : i32
    %dma_start3A_8 = tpu.memref_slice %arg2[%add3A_6, %dma_start3A, %dma_start3A_7] : memref<1024x200x128xf32, #tpu.memory_space<hbm>> -> memref<1x200x128xf32, #tpu.memory_space<hbm>>
    %dma_start3A_9 = tpu.memref_squeeze %dma_start3A_8 : memref<1x200x128xf32, #tpu.memory_space<hbm>> -> memref<200x128xf32, #tpu.memory_space<hbm>>
    %dma_start3A_10 = arith.constant 0 : i32
    %dma_start3A_11 = arith.constant 0 : i32
    %dma_start3A_12 = tpu.memref_slice %arg2[%add3A_6, %dma_start3A_10, %dma_start3A_11] : memref<1024x200x128xf32, #tpu.memory_space<hbm>> -> memref<1x200x128xf32, #tpu.memory_space<hbm>>
    %dma_start3A_13 = tpu.memref_squeeze %dma_start3A_12 : memref<1x200x128xf32, #tpu.memory_space<hbm>> -> memref<200x128xf32, #tpu.memory_space<hbm>>
    tpu.enqueue_dma source(%dma_start3A_13 : memref<200x128xf32, #tpu.memory_space<hbm>>) target(%arg8 : memref<200x128xf32, #tpu.memory_space<vmem>>) target_semaphore(%arg13 : memref<!tpu.dma_semaphore, #tpu.memory_space<semaphore_mem>>)
    %add3A_14 = arith.constant 1 : i32
    %add3A_15 = arith.addi %mul3A_2, %add3A_14 : i32
    %dma_start3A_16 = arith.constant 0 : i32
    %dma_start3A_17 = arith.constant 0 : i32
    %dma_start3A_18 = tpu.memref_slice %arg2[%add3A_15, %dma_start3A_16, %dma_start3A_17] : memref<1024x200x128xf32, #tpu.memory_space<hbm>> -> memref<1x200x128xf32, #tpu.memory_space<hbm>>
    %dma_start3A_19 = tpu.memref_squeeze %dma_start3A_18 : memref<1x200x128xf32, #tpu.memory_space<hbm>> -> memref<200x128xf32, #tpu.memory_space<hbm>>
    %dma_start3A_20 = arith.constant 0 : i32
    %dma_start3A_21 = arith.constant 0 : i32
    %dma_start3A_22 = tpu.memref_slice %arg2[%add3A_15, %dma_start3A_20, %dma_start3A_21] : memref<1024x200x128xf32, #tpu.memory_space<hbm>> -> memref<1x200x128xf32, #tpu.memory_space<hbm>>
    %dma_start3A_23 = tpu.memref_squeeze %dma_start3A_22 : memref<1x200x128xf32, #tpu.memory_space<hbm>> -> memref<200x128xf32, #tpu.memory_space<hbm>>
    tpu.enqueue_dma source(%dma_start3A_23 : memref<200x128xf32, #tpu.memory_space<hbm>>) target(%arg9 : memref<200x128xf32, #tpu.memory_space<vmem>>) target_semaphore(%arg14 : memref<!tpu.dma_semaphore, #tpu.memory_space<semaphore_mem>>)
    %scan3A = arith.constant 0 : i32
    %scan3A_24 = arith.constant 16 : i32
    %scan3A_25 = arith.addi %scan3A, %scan3A_24 : i32
    %scan3A_26 = arith.constant 1 : i32
    scf.for %scan3A_335 = %scan3A to %scan3A_25 step %scan3A_26  : i32 {
      %mul3A_336 = arith.constant 2 : i32
      %mul3A_337 = arith.muli %scan3A_335, %mul3A_336 : i32
      %add3A_338 = arith.constant 0 : i32
      %add3A_339 = arith.addi %add3A_338, %mul3A_337 : i32
      %add3A_340 = arith.constant 0 : i32
      %add3A_341 = arith.addi %add3A_339, %add3A_340 : i32
      %add3A_342 = arith.addi %mul3A_2, %add3A_341 : i32
      %dma_start3A_343 = arith.constant 208 : i32
      %dma_start3A_344 = arith.constant 0 : i32
      %dma_start3A_345 = tpu.memref_slice %arg6[%add3A_342, %dma_start3A_343, %dma_start3A_344] : memref<1024x301x128xf32, #tpu.memory_space<hbm>> -> memref<1x93x128xf32, #tpu.memory_space<hbm>>
      %dma_start3A_346 = tpu.memref_squeeze %dma_start3A_345 : memref<1x93x128xf32, #tpu.memory_space<hbm>> -> memref<93x128xf32, #tpu.memory_space<hbm>>
      %dma_start3A_347 = arith.constant 8 : i32
      %dma_start3A_348 = arith.constant 0 : i32
      %dma_start3A_349 = tpu.memref_slice %arg12[%dma_start3A_347, %dma_start3A_348] : memref<104x128xf32, #tpu.memory_space<vmem_shared>> -> memref<93x128xf32, #tpu.memory_space<vmem_shared>>
      tpu.enqueue_dma source(%dma_start3A_349 : memref<93x128xf32, #tpu.memory_space<vmem_shared>>) target(%dma_start3A_346 : memref<93x128xf32, #tpu.memory_space<hbm>>) target_semaphore(%arg17 : memref<!tpu.dma_semaphore, #tpu.memory_space<semaphore_mem>>)
      %add3A_350 = arith.addi %mul3A_2, %add3A_341 : i32
      %dma_wait3A_351 = arith.constant 0 : i32
      %dma_wait3A_352 = arith.constant 0 : i32
      %dma_wait3A_353 = tpu.memref_slice %arg2[%add3A_350, %dma_wait3A_351, %dma_wait3A_352] : memref<1024x200x128xf32, #tpu.memory_space<hbm>> -> memref<1x200x128xf32, #tpu.memory_space<hbm>>
      %dma_wait3A_354 = tpu.memref_squeeze %dma_wait3A_353 : memref<1x200x128xf32, #tpu.memory_space<hbm>> -> memref<200x128xf32, #tpu.memory_space<hbm>>
      %dma_wait3A_355 = arith.constant 0 : i32
      %dma_wait3A_356 = arith.constant 0 : i32
      %dma_wait3A_357 = tpu.memref_slice %arg2[%add3A_350, %dma_wait3A_355, %dma_wait3A_356] : memref<1024x200x128xf32, #tpu.memory_space<hbm>> -> memref<1x200x128xf32, #tpu.memory_space<hbm>>
      %dma_wait3A_358 = tpu.memref_squeeze %dma_wait3A_357 : memref<1x200x128xf32, #tpu.memory_space<hbm>> -> memref<200x128xf32, #tpu.memory_space<hbm>>
      tpu.wait_dma2 semaphore(%arg13 : memref<!tpu.dma_semaphore, #tpu.memory_space<semaphore_mem>>) src(%dma_wait3A_358 : memref<200x128xf32, #tpu.memory_space<hbm>>) dst(%arg8 : memref<200x128xf32, #tpu.memory_space<vmem>>)
      %ge3A = arith.constant 2 : i32
      %ge3A_359 = arith.cmpi sge, %add3A_341, %ge3A : i32
      %convert_element_type3A_360 = arith.extui %ge3A_359 : i1 to i32
      %cond3A_361 = arith.constant 0 : i32
      %cond3A_362 = arith.cmpi ne, %convert_element_type3A_360, %cond3A_361 : i32
      scf.if %cond3A_362 {
        %sub3A = arith.constant 2 : i32
        %sub3A_423 = arith.subi %add3A_341, %sub3A : i32
        %add3A_424 = arith.addi %mul3A_2, %sub3A_423 : i32
        %dma_wait3A_425 = arith.constant 0 : i32
        %dma_wait3A_426 = arith.constant 0 : i32
        %dma_wait3A_427 = tpu.memref_slice %arg6[%add3A_424, %dma_wait3A_425, %dma_wait3A_426] : memref<1024x301x128xf32, #tpu.memory_space<hbm>> -> memref<1x208x128xf32, #tpu.memory_space<hbm>>
        %dma_wait3A_428 = tpu.memref_squeeze %dma_wait3A_427 : memref<1x208x128xf32, #tpu.memory_space<hbm>> -> memref<208x128xf32, #tpu.memory_space<hbm>>
        %dma_wait3A_429 = arith.constant 0 : i32
        %dma_wait3A_430 = arith.constant 0 : i32
        %dma_wait3A_431 = tpu.memref_slice %arg6[%add3A_424, %dma_wait3A_429, %dma_wait3A_430] : memref<1024x301x128xf32, #tpu.memory_space<hbm>> -> memref<1x208x128xf32, #tpu.memory_space<hbm>>
        %dma_wait3A_432 = tpu.memref_squeeze %dma_wait3A_431 : memref<1x208x128xf32, #tpu.memory_space<hbm>> -> memref<208x128xf32, #tpu.memory_space<hbm>>
        tpu.wait_dma2 semaphore(%arg15 : memref<!tpu.dma_semaphore, #tpu.memory_space<semaphore_mem>>) src(%arg10 : memref<208x128xf32, #tpu.memory_space<vmem>>) dst(%dma_wait3A_432 : memref<208x128xf32, #tpu.memory_space<hbm>>)
      } else {
      }
      %parallel_loop3A = arith.constant 0 : i32
      %parallel_loop3A_363 = arith.constant 200 : i32
      %parallel_loop3A_364 = arith.constant 1 : i32
      scf.for %parallel_loop3A_423 = %parallel_loop3A to %parallel_loop3A_363 step %parallel_loop3A_364  : i32 {
        %parallel_loop3A_424 = arith.index_cast %parallel_loop3A_423 : i32 to index
        %parallel_loop3A_425 = arith.constant 0 : index
        %parallel_loop3A_426 = tpu.vector_load %arg8[%parallel_loop3A_424, %parallel_loop3A_425] {strides = array<i32>} : memref<200x128xf32, #tpu.memory_space<vmem>>, vector<1x16xf32>,
        %parallel_loop3A_427 = vector.shape_cast %parallel_loop3A_426 : vector<1x16xf32> to vector<16xf32>
        %parallel_loop3A_428 = arith.index_cast %parallel_loop3A_423 : i32 to index
        %parallel_loop3A_429 = arith.constant 0 : index
        %parallel_loop3A_430 = tpu.vector_load %arg7[%parallel_loop3A_428, %parallel_loop3A_429] {strides = array<i32>} : memref<200x128xf32, #tpu.memory_space<vmem>>, vector<1x16xf32>,
        %parallel_loop3A_431 = vector.shape_cast %parallel_loop3A_430 : vector<1x16xf32> to vector<16xf32>
        %parallel_loop3A_432 = arith.addf %parallel_loop3A_427, %parallel_loop3A_431 : vector<16xf32>
        %parallel_loop3A_433 = arith.constant 1 : i32
        %parallel_loop3A_434 = arith.addi %parallel_loop3A_423, %parallel_loop3A_433 : i32
        %parallel_loop3A_435 = arith.index_cast %parallel_loop3A_434 : i32 to index
        %parallel_loop3A_436 = arith.constant 0 : index
        %parallel_loop3A_437 = tpu.vector_load %arg10[%parallel_loop3A_435, %parallel_loop3A_436] {strides = array<i32>} : memref<208x128xf32, #tpu.memory_space<vmem>>, vector<1x16xf32>,
        %parallel_loop3A_438 = vector.shape_cast %parallel_loop3A_437 : vector<1x16xf32> to vector<16xf32>
        %parallel_loop3A_439 = vector.shape_cast %parallel_loop3A_432 : vector<16xf32> to vector<1x16xf32>
        tpu.vector_store %arg10[%parallel_loop3A_435, %parallel_loop3A_436], %parallel_loop3A_439 {strides = array<i32>} : memref<208x128xf32, #tpu.memory_space<vmem>>, vector<1x16xf32>,
        %parallel_loop3A_440 = arith.index_cast %parallel_loop3A_423 : i32 to index
        %parallel_loop3A_441 = arith.constant 16 : index
        %parallel_loop3A_442 = tpu.vector_load %arg8[%parallel_loop3A_440, %parallel_loop3A_441] {strides = array<i32>} : memref<200x128xf32, #tpu.memory_space<vmem>>, vector<1x16xf32>,
        %parallel_loop3A_443 = vector.shape_cast %parallel_loop3A_442 : vector<1x16xf32> to vector<16xf32>
        %parallel_loop3A_444 = arith.index_cast %parallel_loop3A_423 : i32 to index
        %parallel_loop3A_445 = arith.constant 16 : index
        %parallel_loop3A_446 = tpu.vector_load %arg7[%parallel_loop3A_444, %parallel_loop3A_445] {strides = array<i32>} : memref<200x128xf32, #tpu.memory_space<vmem>>, vector<1x16xf32>,
        %parallel_loop3A_447 = vector.shape_cast %parallel_loop3A_446 : vector<1x16xf32> to vector<16xf32>
        %parallel_loop3A_448 = arith.addf %parallel_loop3A_443, %parallel_loop3A_447 : vector<16xf32>
        %parallel_loop3A_449 = arith.constant 1 : i32
        %parallel_loop3A_450 = arith.addi %parallel_loop3A_423, %parallel_loop3A_449 : i32
        %parallel_loop3A_451 = arith.index_cast %parallel_loop3A_450 : i32 to index
        %parallel_loop3A_452 = arith.constant 16 : index
        %parallel_loop3A_453 = tpu.vector_load %arg10[%parallel_loop3A_451, %parallel_loop3A_452] {strides = array<i32>} : memref<208x128xf32, #tpu.memory_space<vmem>>, vector<1x16xf32>,
        %parallel_loop3A_454 = vector.shape_cast %parallel_loop3A_453 : vector<1x16xf32> to vector<16xf32>
        %parallel_loop3A_455 = vector.shape_cast %parallel_loop3A_448 : vector<16xf32> to vector<1x16xf32>
        tpu.vector_store %arg10[%parallel_loop3A_451, %parallel_loop3A_452], %parallel_loop3A_455 {strides = array<i32>} : memref<208x128xf32, #tpu.memory_space<vmem>>, vector<1x16xf32>,
        %parallel_loop3A_456 = arith.index_cast %parallel_loop3A_423 : i32 to index
        %parallel_loop3A_457 = arith.constant 32 : index
        %parallel_loop3A_458 = tpu.vector_load %arg8[%parallel_loop3A_456, %parallel_loop3A_457] {strides = array<i32>} : memref<200x128xf32, #tpu.memory_space<vmem>>, vector<1x16xf32>,
        %parallel_loop3A_459 = vector.shape_cast %parallel_loop3A_458 : vector<1x16xf32> to vector<16xf32>
        %parallel_loop3A_460 = arith.index_cast %parallel_loop3A_423 : i32 to index
        %parallel_loop3A_461 = arith.constant 32 : index
        %parallel_loop3A_462 = tpu.vector_load %arg7[%parallel_loop3A_460, %parallel_loop3A_461] {strides = array<i32>} : memref<200x128xf32, #tpu.memory_space<vmem>>, vector<1x16xf32>,
        %parallel_loop3A_463 = vector.shape_cast %parallel_loop3A_462 : vector<1x16xf32> to vector<16xf32>
        %parallel_loop3A_464 = arith.addf %parallel_loop3A_459, %parallel_loop3A_463 : vector<16xf32>
        %parallel_loop3A_465 = arith.constant 1 : i32
        %parallel_loop3A_466 = arith.addi %parallel_loop3A_423, %parallel_loop3A_465 : i32
        %parallel_loop3A_467 = arith.index_cast %parallel_loop3A_466 : i32 to index
        %parallel_loop3A_468 = arith.constant 32 : index
        %parallel_loop3A_469 = tpu.vector_load %arg10[%parallel_loop3A_467, %parallel_loop3A_468] {strides = array<i32>} : memref<208x128xf32, #tpu.memory_space<vmem>>, vector<1x16xf32>,
        %parallel_loop3A_470 = vector.shape_cast %parallel_loop3A_469 : vector<1x16xf32> to vector<16xf32>
        %parallel_loop3A_471 = vector.shape_cast %parallel_loop3A_464 : vector<16xf32> to vector<1x16xf32>
        tpu.vector_store %arg10[%parallel_loop3A_467, %parallel_loop3A_468], %parallel_loop3A_471 {strides = array<i32>} : memref<208x128xf32, #tpu.memory_space<vmem>>, vector<1x16xf32>,
        %parallel_loop3A_472 = arith.index_cast %parallel_loop3A_423 : i32 to index
        %parallel_loop3A_473 = arith.constant 48 : index
        %parallel_loop3A_474 = tpu.vector_load %arg8[%parallel_loop3A_472, %parallel_loop3A_473] {strides = array<i32>} : memref<200x128xf32, #tpu.memory_space<vmem>>, vector<1x16xf32>,
        %parallel_loop3A_475 = vector.shape_cast %parallel_loop3A_474 : vector<1x16xf32> to vector<16xf32>
        %parallel_loop3A_476 = arith.index_cast %parallel_loop3A_423 : i32 to index
        %parallel_loop3A_477 = arith.constant 48 : index
        %parallel_loop3A_478 = tpu.vector_load %arg7[%parallel_loop3A_476, %parallel_loop3A_477] {strides = array<i32>} : memref<200x128xf32, #tpu.memory_space<vmem>>, vector<1x16xf32>,
        %parallel_loop3A_479 = vector.shape_cast %parallel_loop3A_478 : vector<1x16xf32> to vector<16xf32>
        %parallel_loop3A_480 = arith.addf %parallel_loop3A_475, %parallel_loop3A_479 : vector<16xf32>
        %parallel_loop3A_481 = arith.constant 1 : i32
        %parallel_loop3A_482 = arith.addi %parallel_loop3A_423, %parallel_loop3A_481 : i32
        %parallel_loop3A_483 = arith.index_cast %parallel_loop3A_482 : i32 to index
        %parallel_loop3A_484 = arith.constant 48 : index
        %parallel_loop3A_485 = tpu.vector_load %arg10[%parallel_loop3A_483, %parallel_loop3A_484] {strides = array<i32>} : memref<208x128xf32, #tpu.memory_space<vmem>>, vector<1x16xf32>,
        %parallel_loop3A_486 = vector.shape_cast %parallel_loop3A_485 : vector<1x16xf32> to vector<16xf32>
        %parallel_loop3A_487 = vector.shape_cast %parallel_loop3A_480 : vector<16xf32> to vector<1x16xf32>
        tpu.vector_store %arg10[%parallel_loop3A_483, %parallel_loop3A_484], %parallel_loop3A_487 {strides = array<i32>} : memref<208x128xf32, #tpu.memory_space<vmem>>, vector<1x16xf32>,
        %parallel_loop3A_488 = arith.index_cast %parallel_loop3A_423 : i32 to index
        %parallel_loop3A_489 = arith.constant 64 : index
        %parallel_loop3A_490 = tpu.vector_load %arg8[%parallel_loop3A_488, %parallel_loop3A_489] {strides = array<i32>} : memref<200x128xf32, #tpu.memory_space<vmem>>, vector<1x16xf32>,
        %parallel_loop3A_491 = vector.shape_cast %parallel_loop3A_490 : vector<1x16xf32> to vector<16xf32>
        %parallel_loop3A_492 = arith.index_cast %parallel_loop3A_423 : i32 to index
        %parallel_loop3A_493 = arith.constant 64 : index
        %parallel_loop3A_494 = tpu.vector_load %arg7[%parallel_loop3A_492, %parallel_loop3A_493] {strides = array<i32>} : memref<200x128xf32, #tpu.memory_space<vmem>>, vector<1x16xf32>,
        %parallel_loop3A_495 = vector.shape_cast %parallel_loop3A_494 : vector<1x16xf32> to vector<16xf32>
        %parallel_loop3A_496 = arith.addf %parallel_loop3A_491, %parallel_loop3A_495 : vector<16xf32>
        %parallel_loop3A_497 = arith.constant 1 : i32
        %parallel_loop3A_498 = arith.addi %parallel_loop3A_423, %parallel_loop3A_497 : i32
        %parallel_loop3A_499 = arith.index_cast %parallel_loop3A_498 : i32 to index
        %parallel_loop3A_500 = arith.constant 64 : index
        %parallel_loop3A_501 = tpu.vector_load %arg10[%parallel_loop3A_499, %parallel_loop3A_500] {strides = array<i32>} : memref<208x128xf32, #tpu.memory_space<vmem>>, vector<1x16xf32>,
        %parallel_loop3A_502 = vector.shape_cast %parallel_loop3A_501 : vector<1x16xf32> to vector<16xf32>
        %parallel_loop3A_503 = vector.shape_cast %parallel_loop3A_496 : vector<16xf32> to vector<1x16xf32>
        tpu.vector_store %arg10[%parallel_loop3A_499, %parallel_loop3A_500], %parallel_loop3A_503 {strides = array<i32>} : memref<208x128xf32, #tpu.memory_space<vmem>>, vector<1x16xf32>,
        %parallel_loop3A_504 = arith.index_cast %parallel_loop3A_423 : i32 to index
        %parallel_loop3A_505 = arith.constant 80 : index
        %parallel_loop3A_506 = tpu.vector_load %arg8[%parallel_loop3A_504, %parallel_loop3A_505] {strides = array<i32>} : memref<200x128xf32, #tpu.memory_space<vmem>>, vector<1x16xf32>,
        %parallel_loop3A_507 = vector.shape_cast %parallel_loop3A_506 : vector<1x16xf32> to vector<16xf32>
        %parallel_loop3A_508 = arith.index_cast %parallel_loop3A_423 : i32 to index
        %parallel_loop3A_509 = arith.constant 80 : index
        %parallel_loop3A_510 = tpu.vector_load %arg7[%parallel_loop3A_508, %parallel_loop3A_509] {strides = array<i32>} : memref<200x128xf32, #tpu.memory_space<vmem>>, vector<1x16xf32>,
        %parallel_loop3A_511 = vector.shape_cast %parallel_loop3A_510 : vector<1x16xf32> to vector<16xf32>
        %parallel_loop3A_512 = arith.addf %parallel_loop3A_507, %parallel_loop3A_511 : vector<16xf32>
        %parallel_loop3A_513 = arith.constant 1 : i32
        %parallel_loop3A_514 = arith.addi %parallel_loop3A_423, %parallel_loop3A_513 : i32
        %parallel_loop3A_515 = arith.index_cast %parallel_loop3A_514 : i32 to index
        %parallel_loop3A_516 = arith.constant 80 : index
        %parallel_loop3A_517 = tpu.vector_load %arg10[%parallel_loop3A_515, %parallel_loop3A_516] {strides = array<i32>} : memref<208x128xf32, #tpu.memory_space<vmem>>, vector<1x16xf32>,
        %parallel_loop3A_518 = vector.shape_cast %parallel_loop3A_517 : vector<1x16xf32> to vector<16xf32>
        %parallel_loop3A_519 = vector.shape_cast %parallel_loop3A_512 : vector<16xf32> to vector<1x16xf32>
        tpu.vector_store %arg10[%parallel_loop3A_515, %parallel_loop3A_516], %parallel_loop3A_519 {strides = array<i32>} : memref<208x128xf32, #tpu.memory_space<vmem>>, vector<1x16xf32>,
        %parallel_loop3A_520 = arith.index_cast %parallel_loop3A_423 : i32 to index
        %parallel_loop3A_521 = arith.constant 96 : index
        %parallel_loop3A_522 = tpu.vector_load %arg8[%parallel_loop3A_520, %parallel_loop3A_521] {strides = array<i32>} : memref<200x128xf32, #tpu.memory_space<vmem>>, vector<1x16xf32>,
        %parallel_loop3A_523 = vector.shape_cast %parallel_loop3A_522 : vector<1x16xf32> to vector<16xf32>
        %parallel_loop3A_524 = arith.index_cast %parallel_loop3A_423 : i32 to index
        %parallel_loop3A_525 = arith.constant 96 : index
        %parallel_loop3A_526 = tpu.vector_load %arg7[%parallel_loop3A_524, %parallel_loop3A_525] {strides = array<i32>} : memref<200x128xf32, #tpu.memory_space<vmem>>, vector<1x16xf32>,
        %parallel_loop3A_527 = vector.shape_cast %parallel_loop3A_526 : vector<1x16xf32> to vector<16xf32>
        %parallel_loop3A_528 = arith.addf %parallel_loop3A_523, %parallel_loop3A_527 : vector<16xf32>
        %parallel_loop3A_529 = arith.constant 1 : i32
        %parallel_loop3A_530 = arith.addi %parallel_loop3A_423, %parallel_loop3A_529 : i32
        %parallel_loop3A_531 = arith.index_cast %parallel_loop3A_530 : i32 to index
        %parallel_loop3A_532 = arith.constant 96 : index
        %parallel_loop3A_533 = tpu.vector_load %arg10[%parallel_loop3A_531, %parallel_loop3A_532] {strides = array<i32>} : memref<208x128xf32, #tpu.memory_space<vmem>>, vector<1x16xf32>,
        %parallel_loop3A_534 = vector.shape_cast %parallel_loop3A_533 : vector<1x16xf32> to vector<16xf32>
        %parallel_loop3A_535 = vector.shape_cast %parallel_loop3A_528 : vector<16xf32> to vector<1x16xf32>
        tpu.vector_store %arg10[%parallel_loop3A_531, %parallel_loop3A_532], %parallel_loop3A_535 {strides = array<i32>} : memref<208x128xf32, #tpu.memory_space<vmem>>, vector<1x16xf32>,
        %parallel_loop3A_536 = arith.index_cast %parallel_loop3A_423 : i32 to index
        %parallel_loop3A_537 = arith.constant 112 : index
        %parallel_loop3A_538 = tpu.vector_load %arg8[%parallel_loop3A_536, %parallel_loop3A_537] {strides = array<i32>} : memref<200x128xf32, #tpu.memory_space<vmem>>, vector<1x16xf32>,
        %parallel_loop3A_539 = vector.shape_cast %parallel_loop3A_538 : vector<1x16xf32> to vector<16xf32>
        %parallel_loop3A_540 = arith.index_cast %parallel_loop3A_423 : i32 to index
        %parallel_loop3A_541 = arith.constant 112 : index
        %parallel_loop3A_542 = tpu.vector_load %arg7[%parallel_loop3A_540, %parallel_loop3A_541] {strides = array<i32>} : memref<200x128xf32, #tpu.memory_space<vmem>>, vector<1x16xf32>,
        %parallel_loop3A_543 = vector.shape_cast %parallel_loop3A_542 : vector<1x16xf32> to vector<16xf32>
        %parallel_loop3A_544 = arith.addf %parallel_loop3A_539, %parallel_loop3A_543 : vector<16xf32>
        %parallel_loop3A_545 = arith.constant 1 : i32
        %parallel_loop3A_546 = arith.addi %parallel_loop3A_423, %parallel_loop3A_545 : i32
        %parallel_loop3A_547 = arith.index_cast %parallel_loop3A_546 : i32 to index
        %parallel_loop3A_548 = arith.constant 112 : index
        %parallel_loop3A_549 = tpu.vector_load %arg10[%parallel_loop3A_547, %parallel_loop3A_548] {strides = array<i32>} : memref<208x128xf32, #tpu.memory_space<vmem>>, vector<1x16xf32>,
        %parallel_loop3A_550 = vector.shape_cast %parallel_loop3A_549 : vector<1x16xf32> to vector<16xf32>
        %parallel_loop3A_551 = vector.shape_cast %parallel_loop3A_544 : vector<16xf32> to vector<1x16xf32>
        tpu.vector_store %arg10[%parallel_loop3A_547, %parallel_loop3A_548], %parallel_loop3A_551 {strides = array<i32>} : memref<208x128xf32, #tpu.memory_space<vmem>>, vector<1x16xf32>,
      } {sc.loop_unroll_factor = 4 : i64, sc.parallel_access}
      %add3A_365 = arith.constant 2 : i32
      %add3A_366 = arith.addi %add3A_341, %add3A_365 : i32
      %lt3A = arith.constant 32 : i32
      %lt3A_367 = arith.cmpi slt, %add3A_366, %lt3A : i32
      %convert_element_type3A_368 = arith.extui %lt3A_367 : i1 to i32
      %cond3A_369 = arith.constant 0 : i32
      %cond3A_370 = arith.cmpi ne, %convert_element_type3A_368, %cond3A_369 : i32
      scf.if %cond3A_370 {
        %add3A_423 = arith.constant 2 : i32
        %add3A_424 = arith.addi %add3A_341, %add3A_423 : i32
        %add3A_425 = arith.addi %mul3A_2, %add3A_424 : i32
        %dma_start3A_426 = arith.constant 0 : i32
        %dma_start3A_427 = arith.constant 0 : i32
        %dma_start3A_428 = tpu.memref_slice %arg2[%add3A_425, %dma_start3A_426, %dma_start3A_427] : memref<1024x200x128xf32, #tpu.memory_space<hbm>> -> memref<1x200x128xf32, #tpu.memory_space<hbm>>
        %dma_start3A_429 = tpu.memref_squeeze %dma_start3A_428 : memref<1x200x128xf32, #tpu.memory_space<hbm>> -> memref<200x128xf32, #tpu.memory_space<hbm>>
        %dma_start3A_430 = arith.constant 0 : i32
        %dma_start3A_431 = arith.constant 0 : i32
        %dma_start3A_432 = tpu.memref_slice %arg2[%add3A_425, %dma_start3A_430, %dma_start3A_431] : memref<1024x200x128xf32, #tpu.memory_space<hbm>> -> memref<1x200x128xf32, #tpu.memory_space<hbm>>
        %dma_start3A_433 = tpu.memref_squeeze %dma_start3A_432 : memref<1x200x128xf32, #tpu.memory_space<hbm>> -> memref<200x128xf32, #tpu.memory_space<hbm>>
        tpu.enqueue_dma source(%dma_start3A_433 : memref<200x128xf32, #tpu.memory_space<hbm>>) target(%arg8 : memref<200x128xf32, #tpu.memory_space<vmem>>) target_semaphore(%arg13 : memref<!tpu.dma_semaphore, #tpu.memory_space<semaphore_mem>>)
      } else {
      }
      %add3A_371 = arith.addi %mul3A_2, %add3A_341 : i32
      %dma_start3A_372 = arith.constant 0 : i32
      %dma_start3A_373 = arith.constant 0 : i32
      %dma_start3A_374 = tpu.memref_slice %arg6[%add3A_371, %dma_start3A_372, %dma_start3A_373] : memref<1024x301x128xf32, #tpu.memory_space<hbm>> -> memref<1x208x128xf32, #tpu.memory_space<hbm>>
      %dma_start3A_375 = tpu.memref_squeeze %dma_start3A_374 : memref<1x208x128xf32, #tpu.memory_space<hbm>> -> memref<208x128xf32, #tpu.memory_space<hbm>>
      %dma_start3A_376 = arith.constant 0 : i32
      %dma_start3A_377 = arith.constant 0 : i32
      %dma_start3A_378 = tpu.memref_slice %arg6[%add3A_371, %dma_start3A_376, %dma_start3A_377] : memref<1024x301x128xf32, #tpu.memory_space<hbm>> -> memref<1x208x128xf32, #tpu.memory_space<hbm>>
      %dma_start3A_379 = tpu.memref_squeeze %dma_start3A_378 : memref<1x208x128xf32, #tpu.memory_space<hbm>> -> memref<208x128xf32, #tpu.memory_space<hbm>>
      tpu.enqueue_dma source(%arg10 : memref<208x128xf32, #tpu.memory_space<vmem>>) target(%dma_start3A_379 : memref<208x128xf32, #tpu.memory_space<hbm>>) target_semaphore(%arg15 : memref<!tpu.dma_semaphore, #tpu.memory_space<semaphore_mem>>)
      %add3A_380 = arith.constant 1 : i32
      %add3A_381 = arith.addi %add3A_339, %add3A_380 : i32
      %add3A_382 = arith.addi %mul3A_2, %add3A_381 : i32
      %dma_start3A_383 = arith.constant 208 : i32
      %dma_start3A_384 = arith.constant 0 : i32
      %dma_start3A_385 = tpu.memref_slice %arg6[%add3A_382, %dma_start3A_383, %dma_start3A_384] : memref<1024x301x128xf32, #tpu.memory_space<hbm>> -> memref<1x93x128xf32, #tpu.memory_space<hbm>>
      %dma_start3A_386 = tpu.memref_squeeze %dma_start3A_385 : memref<1x93x128xf32, #tpu.memory_space<hbm>> -> memref<93x128xf32, #tpu.memory_space<hbm>>
      %dma_start3A_387 = arith.constant 8 : i32
      %dma_start3A_388 = arith.constant 0 : i32
      %dma_start3A_389 = tpu.memref_slice %arg12[%dma_start3A_387, %dma_start3A_388] : memref<104x128xf32, #tpu.memory_space<vmem_shared>> -> memref<93x128xf32, #tpu.memory_space<vmem_shared>>
      tpu.enqueue_dma source(%dma_start3A_389 : memref<93x128xf32, #tpu.memory_space<vmem_shared>>) target(%dma_start3A_386 : memref<93x128xf32, #tpu.memory_space<hbm>>) target_semaphore(%arg17 : memref<!tpu.dma_semaphore, #tpu.memory_space<semaphore_mem>>)
      %add3A_390 = arith.addi %mul3A_2, %add3A_381 : i32
      %dma_wait3A_391 = arith.constant 0 : i32
      %dma_wait3A_392 = arith.constant 0 : i32
      %dma_wait3A_393 = tpu.memref_slice %arg2[%add3A_390, %dma_wait3A_391, %dma_wait3A_392] : memref<1024x200x128xf32, #tpu.memory_space<hbm>> -> memref<1x200x128xf32, #tpu.memory_space<hbm>>
      %dma_wait3A_394 = tpu.memref_squeeze %dma_wait3A_393 : memref<1x200x128xf32, #tpu.memory_space<hbm>> -> memref<200x128xf32, #tpu.memory_space<hbm>>
      %dma_wait3A_395 = arith.constant 0 : i32
      %dma_wait3A_396 = arith.constant 0 : i32
      %dma_wait3A_397 = tpu.memref_slice %arg2[%add3A_390, %dma_wait3A_395, %dma_wait3A_396] : memref<1024x200x128xf32, #tpu.memory_space<hbm>> -> memref<1x200x128xf32, #tpu.memory_space<hbm>>
      %dma_wait3A_398 = tpu.memref_squeeze %dma_wait3A_397 : memref<1x200x128xf32, #tpu.memory_space<hbm>> -> memref<200x128xf32, #tpu.memory_space<hbm>>
      tpu.wait_dma2 semaphore(%arg14 : memref<!tpu.dma_semaphore, #tpu.memory_space<semaphore_mem>>) src(%dma_wait3A_398 : memref<200x128xf32, #tpu.memory_space<hbm>>) dst(%arg9 : memref<200x128xf32, #tpu.memory_space<vmem>>)
      %ge3A_399 = arith.constant 2 : i32
      %ge3A_400 = arith.cmpi sge, %add3A_381, %ge3A_399 : i32
      %convert_element_type3A_401 = arith.extui %ge3A_400 : i1 to i32
      %cond3A_402 = arith.constant 0 : i32
      %cond3A_403 = arith.cmpi ne, %convert_element_type3A_401, %cond3A_402 : i32
      scf.if %cond3A_403 {
        %sub3A = arith.constant 2 : i32
        %sub3A_423 = arith.subi %add3A_381, %sub3A : i32
        %add3A_424 = arith.addi %mul3A_2, %sub3A_423 : i32
        %dma_wait3A_425 = arith.constant 0 : i32
        %dma_wait3A_426 = arith.constant 0 : i32
        %dma_wait3A_427 = tpu.memref_slice %arg6[%add3A_424, %dma_wait3A_425, %dma_wait3A_426] : memref<1024x301x128xf32, #tpu.memory_space<hbm>> -> memref<1x208x128xf32, #tpu.memory_space<hbm>>
        %dma_wait3A_428 = tpu.memref_squeeze %dma_wait3A_427 : memref<1x208x128xf32, #tpu.memory_space<hbm>> -> memref<208x128xf32, #tpu.memory_space<hbm>>
        %dma_wait3A_429 = arith.constant 0 : i32
        %dma_wait3A_430 = arith.constant 0 : i32
        %dma_wait3A_431 = tpu.memref_slice %arg6[%add3A_424, %dma_wait3A_429, %dma_wait3A_430] : memref<1024x301x128xf32, #tpu.memory_space<hbm>> -> memref<1x208x128xf32, #tpu.memory_space<hbm>>
        %dma_wait3A_432 = tpu.memref_squeeze %dma_wait3A_431 : memref<1x208x128xf32, #tpu.memory_space<hbm>> -> memref<208x128xf32, #tpu.memory_space<hbm>>
        tpu.wait_dma2 semaphore(%arg16 : memref<!tpu.dma_semaphore, #tpu.memory_space<semaphore_mem>>) src(%arg11 : memref<208x128xf32, #tpu.memory_space<vmem>>) dst(%dma_wait3A_432 : memref<208x128xf32, #tpu.memory_space<hbm>>)
      } else {
      }
      %parallel_loop3A_404 = arith.constant 0 : i32
      %parallel_loop3A_405 = arith.constant 200 : i32
      %parallel_loop3A_406 = arith.constant 1 : i32
      scf.for %parallel_loop3A_423 = %parallel_loop3A_404 to %parallel_loop3A_405 step %parallel_loop3A_406  : i32 {
        %parallel_loop3A_424 = arith.index_cast %parallel_loop3A_423 : i32 to index
        %parallel_loop3A_425 = arith.constant 0 : index
        %parallel_loop3A_426 = tpu.vector_load %arg9[%parallel_loop3A_424, %parallel_loop3A_425] {strides = array<i32>} : memref<200x128xf32, #tpu.memory_space<vmem>>, vector<1x16xf32>,
        %parallel_loop3A_427 = vector.shape_cast %parallel_loop3A_426 : vector<1x16xf32> to vector<16xf32>
        %parallel_loop3A_428 = arith.index_cast %parallel_loop3A_423 : i32 to index
        %parallel_loop3A_429 = arith.constant 0 : index
        %parallel_loop3A_430 = tpu.vector_load %arg7[%parallel_loop3A_428, %parallel_loop3A_429] {strides = array<i32>} : memref<200x128xf32, #tpu.memory_space<vmem>>, vector<1x16xf32>,
        %parallel_loop3A_431 = vector.shape_cast %parallel_loop3A_430 : vector<1x16xf32> to vector<16xf32>
        %parallel_loop3A_432 = arith.addf %parallel_loop3A_427, %parallel_loop3A_431 : vector<16xf32>
        %parallel_loop3A_433 = arith.constant 1 : i32
        %parallel_loop3A_434 = arith.addi %parallel_loop3A_423, %parallel_loop3A_433 : i32
        %parallel_loop3A_435 = arith.index_cast %parallel_loop3A_434 : i32 to index
        %parallel_loop3A_436 = arith.constant 0 : index
        %parallel_loop3A_437 = tpu.vector_load %arg11[%parallel_loop3A_435, %parallel_loop3A_436] {strides = array<i32>} : memref<208x128xf32, #tpu.memory_space<vmem>>, vector<1x16xf32>,
        %parallel_loop3A_438 = vector.shape_cast %parallel_loop3A_437 : vector<1x16xf32> to vector<16xf32>
        %parallel_loop3A_439 = vector.shape_cast %parallel_loop3A_432 : vector<16xf32> to vector<1x16xf32>
        tpu.vector_store %arg11[%parallel_loop3A_435, %parallel_loop3A_436], %parallel_loop3A_439 {strides = array<i32>} : memref<208x128xf32, #tpu.memory_space<vmem>>, vector<1x16xf32>,
        %parallel_loop3A_440 = arith.index_cast %parallel_loop3A_423 : i32 to index
        %parallel_loop3A_441 = arith.constant 16 : index
        %parallel_loop3A_442 = tpu.vector_load %arg9[%parallel_loop3A_440, %parallel_loop3A_441] {strides = array<i32>} : memref<200x128xf32, #tpu.memory_space<vmem>>, vector<1x16xf32>,
        %parallel_loop3A_443 = vector.shape_cast %parallel_loop3A_442 : vector<1x16xf32> to vector<16xf32>
        %parallel_loop3A_444 = arith.index_cast %parallel_loop3A_423 : i32 to index
        %parallel_loop3A_445 = arith.constant 16 : index
        %parallel_loop3A_446 = tpu.vector_load %arg7[%parallel_loop3A_444, %parallel_loop3A_445] {strides = array<i32>} : memref<200x128xf32, #tpu.memory_space<vmem>>, vector<1x16xf32>,
        %parallel_loop3A_447 = vector.shape_cast %parallel_loop3A_446 : vector<1x16xf32> to vector<16xf32>
        %parallel_loop3A_448 = arith.addf %parallel_loop3A_443, %parallel_loop3A_447 : vector<16xf32>
        %parallel_loop3A_449 = arith.constant 1 : i32
        %parallel_loop3A_450 = arith.addi %parallel_loop3A_423, %parallel_loop3A_449 : i32
        %parallel_loop3A_451 = arith.index_cast %parallel_loop3A_450 : i32 to index
        %parallel_loop3A_452 = arith.constant 16 : index
        %parallel_loop3A_453 = tpu.vector_load %arg11[%parallel_loop3A_451, %parallel_loop3A_452] {strides = array<i32>} : memref<208x128xf32, #tpu.memory_space<vmem>>, vector<1x16xf32>,
        %parallel_loop3A_454 = vector.shape_cast %parallel_loop3A_453 : vector<1x16xf32> to vector<16xf32>
        %parallel_loop3A_455 = vector.shape_cast %parallel_loop3A_448 : vector<16xf32> to vector<1x16xf32>
        tpu.vector_store %arg11[%parallel_loop3A_451, %parallel_loop3A_452], %parallel_loop3A_455 {strides = array<i32>} : memref<208x128xf32, #tpu.memory_space<vmem>>, vector<1x16xf32>,
        %parallel_loop3A_456 = arith.index_cast %parallel_loop3A_423 : i32 to index
        %parallel_loop3A_457 = arith.constant 32 : index
        %parallel_loop3A_458 = tpu.vector_load %arg9[%parallel_loop3A_456, %parallel_loop3A_457] {strides = array<i32>} : memref<200x128xf32, #tpu.memory_space<vmem>>, vector<1x16xf32>,
        %parallel_loop3A_459 = vector.shape_cast %parallel_loop3A_458 : vector<1x16xf32> to vector<16xf32>
        %parallel_loop3A_460 = arith.index_cast %parallel_loop3A_423 : i32 to index
        %parallel_loop3A_461 = arith.constant 32 : index
        %parallel_loop3A_462 = tpu.vector_load %arg7[%parallel_loop3A_460, %parallel_loop3A_461] {strides = array<i32>} : memref<200x128xf32, #tpu.memory_space<vmem>>, vector<1x16xf32>,
        %parallel_loop3A_463 = vector.shape_cast %parallel_loop3A_462 : vector<1x16xf32> to vector<16xf32>
        %parallel_loop3A_464 = arith.addf %parallel_loop3A_459, %parallel_loop3A_463 : vector<16xf32>
        %parallel_loop3A_465 = arith.constant 1 : i32
        %parallel_loop3A_466 = arith.addi %parallel_loop3A_423, %parallel_loop3A_465 : i32
        %parallel_loop3A_467 = arith.index_cast %parallel_loop3A_466 : i32 to index
        %parallel_loop3A_468 = arith.constant 32 : index
        %parallel_loop3A_469 = tpu.vector_load %arg11[%parallel_loop3A_467, %parallel_loop3A_468] {strides = array<i32>} : memref<208x128xf32, #tpu.memory_space<vmem>>, vector<1x16xf32>,
        %parallel_loop3A_470 = vector.shape_cast %parallel_loop3A_469 : vector<1x16xf32> to vector<16xf32>
        %parallel_loop3A_471 = vector.shape_cast %parallel_loop3A_464 : vector<16xf32> to vector<1x16xf32>
        tpu.vector_store %arg11[%parallel_loop3A_467, %parallel_loop3A_468], %parallel_loop3A_471 {strides = array<i32>} : memref<208x128xf32, #tpu.memory_space<vmem>>, vector<1x16xf32>,
        %parallel_loop3A_472 = arith.index_cast %parallel_loop3A_423 : i32 to index
        %parallel_loop3A_473 = arith.constant 48 : index
        %parallel_loop3A_474 = tpu.vector_load %arg9[%parallel_loop3A_472, %parallel_loop3A_473] {strides = array<i32>} : memref<200x128xf32, #tpu.memory_space<vmem>>, vector<1x16xf32>,
        %parallel_loop3A_475 = vector.shape_cast %parallel_loop3A_474 : vector<1x16xf32> to vector<16xf32>
        %parallel_loop3A_476 = arith.index_cast %parallel_loop3A_423 : i32 to index
        %parallel_loop3A_477 = arith.constant 48 : index
        %parallel_loop3A_478 = tpu.vector_load %arg7[%parallel_loop3A_476, %parallel_loop3A_477] {strides = array<i32>} : memref<200x128xf32, #tpu.memory_space<vmem>>, vector<1x16xf32>,
        %parallel_loop3A_479 = vector.shape_cast %parallel_loop3A_478 : vector<1x16xf32> to vector<16xf32>
        %parallel_loop3A_480 = arith.addf %parallel_loop3A_475, %parallel_loop3A_479 : vector<16xf32>
        %parallel_loop3A_481 = arith.constant 1 : i32
        %parallel_loop3A_482 = arith.addi %parallel_loop3A_423, %parallel_loop3A_481 : i32
        %parallel_loop3A_483 = arith.index_cast %parallel_loop3A_482 : i32 to index
        %parallel_loop3A_484 = arith.constant 48 : index
        %parallel_loop3A_485 = tpu.vector_load %arg11[%parallel_loop3A_483, %parallel_loop3A_484] {strides = array<i32>} : memref<208x128xf32, #tpu.memory_space<vmem>>, vector<1x16xf32>,
        %parallel_loop3A_486 = vector.shape_cast %parallel_loop3A_485 : vector<1x16xf32> to vector<16xf32>
        %parallel_loop3A_487 = vector.shape_cast %parallel_loop3A_480 : vector<16xf32> to vector<1x16xf32>
        tpu.vector_store %arg11[%parallel_loop3A_483, %parallel_loop3A_484], %parallel_loop3A_487 {strides = array<i32>} : memref<208x128xf32, #tpu.memory_space<vmem>>, vector<1x16xf32>,
        %parallel_loop3A_488 = arith.index_cast %parallel_loop3A_423 : i32 to index
        %parallel_loop3A_489 = arith.constant 64 : index
        %parallel_loop3A_490 = tpu.vector_load %arg9[%parallel_loop3A_488, %parallel_loop3A_489] {strides = array<i32>} : memref<200x128xf32, #tpu.memory_space<vmem>>, vector<1x16xf32>,
        %parallel_loop3A_491 = vector.shape_cast %parallel_loop3A_490 : vector<1x16xf32> to vector<16xf32>
        %parallel_loop3A_492 = arith.index_cast %parallel_loop3A_423 : i32 to index
        %parallel_loop3A_493 = arith.constant 64 : index
        %parallel_loop3A_494 = tpu.vector_load %arg7[%parallel_loop3A_492, %parallel_loop3A_493] {strides = array<i32>} : memref<200x128xf32, #tpu.memory_space<vmem>>, vector<1x16xf32>,
        %parallel_loop3A_495 = vector.shape_cast %parallel_loop3A_494 : vector<1x16xf32> to vector<16xf32>
        %parallel_loop3A_496 = arith.addf %parallel_loop3A_491, %parallel_loop3A_495 : vector<16xf32>
        %parallel_loop3A_497 = arith.constant 1 : i32
        %parallel_loop3A_498 = arith.addi %parallel_loop3A_423, %parallel_loop3A_497 : i32
        %parallel_loop3A_499 = arith.index_cast %parallel_loop3A_498 : i32 to index
        %parallel_loop3A_500 = arith.constant 64 : index
        %parallel_loop3A_501 = tpu.vector_load %arg11[%parallel_loop3A_499, %parallel_loop3A_500] {strides = array<i32>} : memref<208x128xf32, #tpu.memory_space<vmem>>, vector<1x16xf32>,
        %parallel_loop3A_502 = vector.shape_cast %parallel_loop3A_501 : vector<1x16xf32> to vector<16xf32>
        %parallel_loop3A_503 = vector.shape_cast %parallel_loop3A_496 : vector<16xf32> to vector<1x16xf32>
        tpu.vector_store %arg11[%parallel_loop3A_499, %parallel_loop3A_500], %parallel_loop3A_503 {strides = array<i32>} : memref<208x128xf32, #tpu.memory_space<vmem>>, vector<1x16xf32>,
        %parallel_loop3A_504 = arith.index_cast %parallel_loop3A_423 : i32 to index
        %parallel_loop3A_505 = arith.constant 80 : index
        %parallel_loop3A_506 = tpu.vector_load %arg9[%parallel_loop3A_504, %parallel_loop3A_505] {strides = array<i32>} : memref<200x128xf32, #tpu.memory_space<vmem>>, vector<1x16xf32>,
        %parallel_loop3A_507 = vector.shape_cast %parallel_loop3A_506 : vector<1x16xf32> to vector<16xf32>
        %parallel_loop3A_508 = arith.index_cast %parallel_loop3A_423 : i32 to index
        %parallel_loop3A_509 = arith.constant 80 : index
        %parallel_loop3A_510 = tpu.vector_load %arg7[%parallel_loop3A_508, %parallel_loop3A_509] {strides = array<i32>} : memref<200x128xf32, #tpu.memory_space<vmem>>, vector<1x16xf32>,
        %parallel_loop3A_511 = vector.shape_cast %parallel_loop3A_510 : vector<1x16xf32> to vector<16xf32>
        %parallel_loop3A_512 = arith.addf %parallel_loop3A_507, %parallel_loop3A_511 : vector<16xf32>
        %parallel_loop3A_513 = arith.constant 1 : i32
        %parallel_loop3A_514 = arith.addi %parallel_loop3A_423, %parallel_loop3A_513 : i32
        %parallel_loop3A_515 = arith.index_cast %parallel_loop3A_514 : i32 to index
        %parallel_loop3A_516 = arith.constant 80 : index
        %parallel_loop3A_517 = tpu.vector_load %arg11[%parallel_loop3A_515, %parallel_loop3A_516] {strides = array<i32>} : memref<208x128xf32, #tpu.memory_space<vmem>>, vector<1x16xf32>,
        %parallel_loop3A_518 = vector.shape_cast %parallel_loop3A_517 : vector<1x16xf32> to vector<16xf32>
        %parallel_loop3A_519 = vector.shape_cast %parallel_loop3A_512 : vector<16xf32> to vector<1x16xf32>
        tpu.vector_store %arg11[%parallel_loop3A_515, %parallel_loop3A_516], %parallel_loop3A_519 {strides = array<i32>} : memref<208x128xf32, #tpu.memory_space<vmem>>, vector<1x16xf32>,
        %parallel_loop3A_520 = arith.index_cast %parallel_loop3A_423 : i32 to index
        %parallel_loop3A_521 = arith.constant 96 : index
        %parallel_loop3A_522 = tpu.vector_load %arg9[%parallel_loop3A_520, %parallel_loop3A_521] {strides = array<i32>} : memref<200x128xf32, #tpu.memory_space<vmem>>, vector<1x16xf32>,
        %parallel_loop3A_523 = vector.shape_cast %parallel_loop3A_522 : vector<1x16xf32> to vector<16xf32>
        %parallel_loop3A_524 = arith.index_cast %parallel_loop3A_423 : i32 to index
        %parallel_loop3A_525 = arith.constant 96 : index
        %parallel_loop3A_526 = tpu.vector_load %arg7[%parallel_loop3A_524, %parallel_loop3A_525] {strides = array<i32>} : memref<200x128xf32, #tpu.memory_space<vmem>>, vector<1x16xf32>,
        %parallel_loop3A_527 = vector.shape_cast %parallel_loop3A_526 : vector<1x16xf32> to vector<16xf32>
        %parallel_loop3A_528 = arith.addf %parallel_loop3A_523, %parallel_loop3A_527 : vector<16xf32>
        %parallel_loop3A_529 = arith.constant 1 : i32
        %parallel_loop3A_530 = arith.addi %parallel_loop3A_423, %parallel_loop3A_529 : i32
        %parallel_loop3A_531 = arith.index_cast %parallel_loop3A_530 : i32 to index
        %parallel_loop3A_532 = arith.constant 96 : index
        %parallel_loop3A_533 = tpu.vector_load %arg11[%parallel_loop3A_531, %parallel_loop3A_532] {strides = array<i32>} : memref<208x128xf32, #tpu.memory_space<vmem>>, vector<1x16xf32>,
        %parallel_loop3A_534 = vector.shape_cast %parallel_loop3A_533 : vector<1x16xf32> to vector<16xf32>
        %parallel_loop3A_535 = vector.shape_cast %parallel_loop3A_528 : vector<16xf32> to vector<1x16xf32>
        tpu.vector_store %arg11[%parallel_loop3A_531, %parallel_loop3A_532], %parallel_loop3A_535 {strides = array<i32>} : memref<208x128xf32, #tpu.memory_space<vmem>>, vector<1x16xf32>,
        %parallel_loop3A_536 = arith.index_cast %parallel_loop3A_423 : i32 to index
        %parallel_loop3A_537 = arith.constant 112 : index
        %parallel_loop3A_538 = tpu.vector_load %arg9[%parallel_loop3A_536, %parallel_loop3A_537] {strides = array<i32>} : memref<200x128xf32, #tpu.memory_space<vmem>>, vector<1x16xf32>,
        %parallel_loop3A_539 = vector.shape_cast %parallel_loop3A_538 : vector<1x16xf32> to vector<16xf32>
        %parallel_loop3A_540 = arith.index_cast %parallel_loop3A_423 : i32 to index
        %parallel_loop3A_541 = arith.constant 112 : index
        %parallel_loop3A_542 = tpu.vector_load %arg7[%parallel_loop3A_540, %parallel_loop3A_541] {strides = array<i32>} : memref<200x128xf32, #tpu.memory_space<vmem>>, vector<1x16xf32>,
        %parallel_loop3A_543 = vector.shape_cast %parallel_loop3A_542 : vector<1x16xf32> to vector<16xf32>
        %parallel_loop3A_544 = arith.addf %parallel_loop3A_539, %parallel_loop3A_543 : vector<16xf32>
        %parallel_loop3A_545 = arith.constant 1 : i32
        %parallel_loop3A_546 = arith.addi %parallel_loop3A_423, %parallel_loop3A_545 : i32
        %parallel_loop3A_547 = arith.index_cast %parallel_loop3A_546 : i32 to index
        %parallel_loop3A_548 = arith.constant 112 : index
        %parallel_loop3A_549 = tpu.vector_load %arg11[%parallel_loop3A_547, %parallel_loop3A_548] {strides = array<i32>} : memref<208x128xf32, #tpu.memory_space<vmem>>, vector<1x16xf32>,
        %parallel_loop3A_550 = vector.shape_cast %parallel_loop3A_549 : vector<1x16xf32> to vector<16xf32>
        %parallel_loop3A_551 = vector.shape_cast %parallel_loop3A_544 : vector<16xf32> to vector<1x16xf32>
        tpu.vector_store %arg11[%parallel_loop3A_547, %parallel_loop3A_548], %parallel_loop3A_551 {strides = array<i32>} : memref<208x128xf32, #tpu.memory_space<vmem>>, vector<1x16xf32>,
      } {sc.loop_unroll_factor = 4 : i64, sc.parallel_access}
      %add3A_407 = arith.constant 2 : i32
      %add3A_408 = arith.addi %add3A_381, %add3A_407 : i32
      %lt3A_409 = arith.constant 32 : i32
      %lt3A_410 = arith.cmpi slt, %add3A_408, %lt3A_409 : i32
      %convert_element_type3A_411 = arith.extui %lt3A_410 : i1 to i32
      %cond3A_412 = arith.constant 0 : i32
      %cond3A_413 = arith.cmpi ne, %convert_element_type3A_411, %cond3A_412 : i32
      scf.if %cond3A_413 {
        %add3A_423 = arith.constant 2 : i32
        %add3A_424 = arith.addi %add3A_381, %add3A_423 : i32
        %add3A_425 = arith.addi %mul3A_2, %add3A_424 : i32
        %dma_start3A_426 = arith.constant 0 : i32
        %dma_start3A_427 = arith.constant 0 : i32
        %dma_start3A_428 = tpu.memref_slice %arg2[%add3A_425, %dma_start3A_426, %dma_start3A_427] : memref<1024x200x128xf32, #tpu.memory_space<hbm>> -> memref<1x200x128xf32, #tpu.memory_space<hbm>>
        %dma_start3A_429 = tpu.memref_squeeze %dma_start3A_428 : memref<1x200x128xf32, #tpu.memory_space<hbm>> -> memref<200x128xf32, #tpu.memory_space<hbm>>
        %dma_start3A_430 = arith.constant 0 : i32
        %dma_start3A_431 = arith.constant 0 : i32
        %dma_start3A_432 = tpu.memref_slice %arg2[%add3A_425, %dma_start3A_430, %dma_start3A_431] : memref<1024x200x128xf32, #tpu.memory_space<hbm>> -> memref<1x200x128xf32, #tpu.memory_space<hbm>>
        %dma_start3A_433 = tpu.memref_squeeze %dma_start3A_432 : memref<1x200x128xf32, #tpu.memory_space<hbm>> -> memref<200x128xf32, #tpu.memory_space<hbm>>
        tpu.enqueue_dma source(%dma_start3A_433 : memref<200x128xf32, #tpu.memory_space<hbm>>) target(%arg9 : memref<200x128xf32, #tpu.memory_space<vmem>>) target_semaphore(%arg14 : memref<!tpu.dma_semaphore, #tpu.memory_space<semaphore_mem>>)
      } else {
      }
      %add3A_414 = arith.addi %mul3A_2, %add3A_381 : i32
      %dma_start3A_415 = arith.constant 0 : i32
      %dma_start3A_416 = arith.constant 0 : i32
      %dma_start3A_417 = tpu.memref_slice %arg6[%add3A_414, %dma_start3A_415, %dma_start3A_416] : memref<1024x301x128xf32, #tpu.memory_space<hbm>> -> memref<1x208x128xf32, #tpu.memory_space<hbm>>
      %dma_start3A_418 = tpu.memref_squeeze %dma_start3A_417 : memref<1x208x128xf32, #tpu.memory_space<hbm>> -> memref<208x128xf32, #tpu.memory_space<hbm>>
      %dma_start3A_419 = arith.constant 0 : i32
      %dma_start3A_420 = arith.constant 0 : i32
      %dma_start3A_421 = tpu.memref_slice %arg6[%add3A_414, %dma_start3A_419, %dma_start3A_420] : memref<1024x301x128xf32, #tpu.memory_space<hbm>> -> memref<1x208x128xf32, #tpu.memory_space<hbm>>
      %dma_start3A_422 = tpu.memref_squeeze %dma_start3A_421 : memref<1x208x128xf32, #tpu.memory_space<hbm>> -> memref<208x128xf32, #tpu.memory_space<hbm>>
      tpu.enqueue_dma source(%arg11 : memref<208x128xf32, #tpu.memory_space<vmem>>) target(%dma_start3A_422 : memref<208x128xf32, #tpu.memory_space<hbm>>) target_semaphore(%arg16 : memref<!tpu.dma_semaphore, #tpu.memory_space<semaphore_mem>>)
    }
    %scan3A_27 = arith.constant 16 : i32
    %add3A_28 = arith.constant 30 : i32
    %add3A_29 = arith.addi %mul3A_2, %add3A_28 : i32
    %dma_wait3A = arith.constant 0 : i32
    %dma_wait3A_30 = arith.constant 0 : i32
    %dma_wait3A_31 = tpu.memref_slice %arg6[%add3A_29, %dma_wait3A, %dma_wait3A_30] : memref<1024x301x128xf32, #tpu.memory_space<hbm>> -> memref<1x208x128xf32, #tpu.memory_space<hbm>>
    %dma_wait3A_32 = tpu.memref_squeeze %dma_wait3A_31 : memref<1x208x128xf32, #tpu.memory_space<hbm>> -> memref<208x128xf32, #tpu.memory_space<hbm>>
    %dma_wait3A_33 = arith.constant 0 : i32
    %dma_wait3A_34 = arith.constant 0 : i32
    %dma_wait3A_35 = tpu.memref_slice %arg6[%add3A_29, %dma_wait3A_33, %dma_wait3A_34] : memref<1024x301x128xf32, #tpu.memory_space<hbm>> -> memref<1x208x128xf32, #tpu.memory_space<hbm>>
    %dma_wait3A_36 = tpu.memref_squeeze %dma_wait3A_35 : memref<1x208x128xf32, #tpu.memory_space<hbm>> -> memref<208x128xf32, #tpu.memory_space<hbm>>
    tpu.wait_dma2 semaphore(%arg15 : memref<!tpu.dma_semaphore, #tpu.memory_space<semaphore_mem>>) src(%arg10 : memref<208x128xf32, #tpu.memory_space<vmem>>) dst(%dma_wait3A_36 : memref<208x128xf32, #tpu.memory_space<hbm>>)
    %add3A_37 = arith.constant 31 : i32
    %add3A_38 = arith.addi %mul3A_2, %add3A_37 : i32
    %dma_wait3A_39 = arith.constant 0 : i32
    %dma_wait3A_40 = arith.constant 0 : i32
    %dma_wait3A_41 = tpu.memref_slice %arg6[%add3A_38, %dma_wait3A_39, %dma_wait3A_40] : memref<1024x301x128xf32, #tpu.memory_space<hbm>> -> memref<1x208x128xf32, #tpu.memory_space<hbm>>
    %dma_wait3A_42 = tpu.memref_squeeze %dma_wait3A_41 : memref<1x208x128xf32, #tpu.memory_space<hbm>> -> memref<208x128xf32, #tpu.memory_space<hbm>>
    %dma_wait3A_43 = arith.constant 0 : i32
    %dma_wait3A_44 = arith.constant 0 : i32
    %dma_wait3A_45 = tpu.memref_slice %arg6[%add3A_38, %dma_wait3A_43, %dma_wait3A_44] : memref<1024x301x128xf32, #tpu.memory_space<hbm>> -> memref<1x208x128xf32, #tpu.memory_space<hbm>>
    %dma_wait3A_46 = tpu.memref_squeeze %dma_wait3A_45 : memref<1x208x128xf32, #tpu.memory_space<hbm>> -> memref<208x128xf32, #tpu.memory_space<hbm>>
    tpu.wait_dma2 semaphore(%arg16 : memref<!tpu.dma_semaphore, #tpu.memory_space<semaphore_mem>>) src(%arg11 : memref<208x128xf32, #tpu.memory_space<vmem>>) dst(%dma_wait3A_46 : memref<208x128xf32, #tpu.memory_space<hbm>>)
    %add3A_47 = arith.constant 0 : i32
    %add3A_48 = arith.addi %mul3A_2, %add3A_47 : i32
    %dma_wait3A_49 = arith.constant 208 : i32
    %dma_wait3A_50 = arith.constant 0 : i32
    %dma_wait3A_51 = tpu.memref_slice %arg6[%add3A_48, %dma_wait3A_49, %dma_wait3A_50] : memref<1024x301x128xf32, #tpu.memory_space<hbm>> -> memref<1x93x128xf32, #tpu.memory_space<hbm>>
    %dma_wait3A_52 = tpu.memref_squeeze %dma_wait3A_51 : memref<1x93x128xf32, #tpu.memory_space<hbm>> -> memref<93x128xf32, #tpu.memory_space<hbm>>
    %dma_wait3A_53 = arith.constant 8 : i32
    %dma_wait3A_54 = arith.constant 0 : i32
    %dma_wait3A_55 = tpu.memref_slice %arg12[%dma_wait3A_53, %dma_wait3A_54] : memref<104x128xf32, #tpu.memory_space<vmem_shared>> -> memref<93x128xf32, #tpu.memory_space<vmem_shared>>
    tpu.wait_dma2 semaphore(%arg17 : memref<!tpu.dma_semaphore, #tpu.memory_space<semaphore_mem>>) src(%dma_wait3A_55 : memref<93x128xf32, #tpu.memory_space<vmem_shared>>) dst(%dma_wait3A_52 : memref<93x128xf32, #tpu.memory_space<hbm>>)
    %add3A_56 = arith.constant 1 : i32
    %add3A_57 = arith.addi %mul3A_2, %add3A_56 : i32
    %dma_wait3A_58 = arith.constant 208 : i32
    %dma_wait3A_59 = arith.constant 0 : i32
    %dma_wait3A_60 = tpu.memref_slice %arg6[%add3A_57, %dma_wait3A_58, %dma_wait3A_59] : memref<1024x301x128xf32, #tpu.memory_space<hbm>> -> memref<1x93x128xf32, #tpu.memory_space<hbm>>
    %dma_wait3A_61 = tpu.memref_squeeze %dma_wait3A_60 : memref<1x93x128xf32, #tpu.memory_space<hbm>> -> memref<93x128xf32, #tpu.memory_space<hbm>>
    %dma_wait3A_62 = arith.constant 8 : i32
    %dma_wait3A_63 = arith.constant 0 : i32
    %dma_wait3A_64 = tpu.memref_slice %arg12[%dma_wait3A_62, %dma_wait3A_63] : memref<104x128xf32, #tpu.memory_space<vmem_shared>> -> memref<93x128xf32, #tpu.memory_space<vmem_shared>>
    tpu.wait_dma2 semaphore(%arg17 : memref<!tpu.dma_semaphore, #tpu.memory_space<semaphore_mem>>) src(%dma_wait3A_64 : memref<93x128xf32, #tpu.memory_space<vmem_shared>>) dst(%dma_wait3A_61 : memref<93x128xf32, #tpu.memory_space<hbm>>)
    %add3A_65 = arith.constant 2 : i32
    %add3A_66 = arith.addi %mul3A_2, %add3A_65 : i32
    %dma_wait3A_67 = arith.constant 208 : i32
    %dma_wait3A_68 = arith.constant 0 : i32
    %dma_wait3A_69 = tpu.memref_slice %arg6[%add3A_66, %dma_wait3A_67, %dma_wait3A_68] : memref<1024x301x128xf32, #tpu.memory_space<hbm>> -> memref<1x93x128xf32, #tpu.memory_space<hbm>>
    %dma_wait3A_70 = tpu.memref_squeeze %dma_wait3A_69 : memref<1x93x128xf32, #tpu.memory_space<hbm>> -> memref<93x128xf32, #tpu.memory_space<hbm>>
    %dma_wait3A_71 = arith.constant 8 : i32
    %dma_wait3A_72 = arith.constant 0 : i32
    %dma_wait3A_73 = tpu.memref_slice %arg12[%dma_wait3A_71, %dma_wait3A_72] : memref<104x128xf32, #tpu.memory_space<vmem_shared>> -> memref<93x128xf32, #tpu.memory_space<vmem_shared>>
    tpu.wait_dma2 semaphore(%arg17 : memref<!tpu.dma_semaphore, #tpu.memory_space<semaphore_mem>>) src(%dma_wait3A_73 : memref<93x128xf32, #tpu.memory_space<vmem_shared>>) dst(%dma_wait3A_70 : memref<93x128xf32, #tpu.memory_space<hbm>>)
    %add3A_74 = arith.constant 3 : i32
    %add3A_75 = arith.addi %mul3A_2, %add3A_74 : i32
    %dma_wait3A_76 = arith.constant 208 : i32
    %dma_wait3A_77 = arith.constant 0 : i32
    %dma_wait3A_78 = tpu.memref_slice %arg6[%add3A_75, %dma_wait3A_76, %dma_wait3A_77] : memref<1024x301x128xf32, #tpu.memory_space<hbm>> -> memref<1x93x128xf32, #tpu.memory_space<hbm>>
    %dma_wait3A_79 = tpu.memref_squeeze %dma_wait3A_78 : memref<1x93x128xf32, #tpu.memory_space<hbm>> -> memref<93x128xf32, #tpu.memory_space<hbm>>
    %dma_wait3A_80 = arith.constant 8 : i32
    %dma_wait3A_81 = arith.constant 0 : i32
    %dma_wait3A_82 = tpu.memref_slice %arg12[%dma_wait3A_80, %dma_wait3A_81] : memref<104x128xf32, #tpu.memory_space<vmem_shared>> -> memref<93x128xf32, #tpu.memory_space<vmem_shared>>
    tpu.wait_dma2 semaphore(%arg17 : memref<!tpu.dma_semaphore, #tpu.memory_space<semaphore_mem>>) src(%dma_wait3A_82 : memref<93x128xf32, #tpu.memory_space<vmem_shared>>) dst(%dma_wait3A_79 : memref<93x128xf32, #tpu.memory_space<hbm>>)
    %add3A_83 = arith.constant 4 : i32
    %add3A_84 = arith.addi %mul3A_2, %add3A_83 : i32
    %dma_wait3A_85 = arith.constant 208 : i32
    %dma_wait3A_86 = arith.constant 0 : i32
    %dma_wait3A_87 = tpu.memref_slice %arg6[%add3A_84, %dma_wait3A_85, %dma_wait3A_86] : memref<1024x301x128xf32, #tpu.memory_space<hbm>> -> memref<1x93x128xf32, #tpu.memory_space<hbm>>
    %dma_wait3A_88 = tpu.memref_squeeze %dma_wait3A_87 : memref<1x93x128xf32, #tpu.memory_space<hbm>> -> memref<93x128xf32, #tpu.memory_space<hbm>>
    %dma_wait3A_89 = arith.constant 8 : i32
    %dma_wait3A_90 = arith.constant 0 : i32
    %dma_wait3A_91 = tpu.memref_slice %arg12[%dma_wait3A_89, %dma_wait3A_90] : memref<104x128xf32, #tpu.memory_space<vmem_shared>> -> memref<93x128xf32, #tpu.memory_space<vmem_shared>>
    tpu.wait_dma2 semaphore(%arg17 : memref<!tpu.dma_semaphore, #tpu.memory_space<semaphore_mem>>) src(%dma_wait3A_91 : memref<93x128xf32, #tpu.memory_space<vmem_shared>>) dst(%dma_wait3A_88 : memref<93x128xf32, #tpu.memory_space<hbm>>)
    %add3A_92 = arith.constant 5 : i32
    %add3A_93 = arith.addi %mul3A_2, %add3A_92 : i32
    %dma_wait3A_94 = arith.constant 208 : i32
    %dma_wait3A_95 = arith.constant 0 : i32
    %dma_wait3A_96 = tpu.memref_slice %arg6[%add3A_93, %dma_wait3A_94, %dma_wait3A_95] : memref<1024x301x128xf32, #tpu.memory_space<hbm>> -> memref<1x93x128xf32, #tpu.memory_space<hbm>>
    %dma_wait3A_97 = tpu.memref_squeeze %dma_wait3A_96 : memref<1x93x128xf32, #tpu.memory_space<hbm>> -> memref<93x128xf32, #tpu.memory_space<hbm>>
    %dma_wait3A_98 = arith.constant 8 : i32
    %dma_wait3A_99 = arith.constant 0 : i32
    %dma_wait3A_100 = tpu.memref_slice %arg12[%dma_wait3A_98, %dma_wait3A_99] : memref<104x128xf32, #tpu.memory_space<vmem_shared>> -> memref<93x128xf32, #tpu.memory_space<vmem_shared>>
    tpu.wait_dma2 semaphore(%arg17 : memref<!tpu.dma_semaphore, #tpu.memory_space<semaphore_mem>>) src(%dma_wait3A_100 : memref<93x128xf32, #tpu.memory_space<vmem_shared>>) dst(%dma_wait3A_97 : memref<93x128xf32, #tpu.memory_space<hbm>>)
    %add3A_101 = arith.constant 6 : i32
    %add3A_102 = arith.addi %mul3A_2, %add3A_101 : i32
    %dma_wait3A_103 = arith.constant 208 : i32
    %dma_wait3A_104 = arith.constant 0 : i32
    %dma_wait3A_105 = tpu.memref_slice %arg6[%add3A_102, %dma_wait3A_103, %dma_wait3A_104] : memref<1024x301x128xf32, #tpu.memory_space<hbm>> -> memref<1x93x128xf32, #tpu.memory_space<hbm>>
    %dma_wait3A_106 = tpu.memref_squeeze %dma_wait3A_105 : memref<1x93x128xf32, #tpu.memory_space<hbm>> -> memref<93x128xf32, #tpu.memory_space<hbm>>
    %dma_wait3A_107 = arith.constant 8 : i32
    %dma_wait3A_108 = arith.constant 0 : i32
    %dma_wait3A_109 = tpu.memref_slice %arg12[%dma_wait3A_107, %dma_wait3A_108] : memref<104x128xf32, #tpu.memory_space<vmem_shared>> -> memref<93x128xf32, #tpu.memory_space<vmem_shared>>
    tpu.wait_dma2 semaphore(%arg17 : memref<!tpu.dma_semaphore, #tpu.memory_space<semaphore_mem>>) src(%dma_wait3A_109 : memref<93x128xf32, #tpu.memory_space<vmem_shared>>) dst(%dma_wait3A_106 : memref<93x128xf32, #tpu.memory_space<hbm>>)
    %add3A_110 = arith.constant 7 : i32
    %add3A_111 = arith.addi %mul3A_2, %add3A_110 : i32
    %dma_wait3A_112 = arith.constant 208 : i32
    %dma_wait3A_113 = arith.constant 0 : i32
    %dma_wait3A_114 = tpu.memref_slice %arg6[%add3A_111, %dma_wait3A_112, %dma_wait3A_113] : memref<1024x301x128xf32, #tpu.memory_space<hbm>> -> memref<1x93x128xf32, #tpu.memory_space<hbm>>
    %dma_wait3A_115 = tpu.memref_squeeze %dma_wait3A_114 : memref<1x93x128xf32, #tpu.memory_space<hbm>> -> memref<93x128xf32, #tpu.memory_space<hbm>>
    %dma_wait3A_116 = arith.constant 8 : i32
    %dma_wait3A_117 = arith.constant 0 : i32
    %dma_wait3A_118 = tpu.memref_slice %arg12[%dma_wait3A_116, %dma_wait3A_117] : memref<104x128xf32, #tpu.memory_space<vmem_shared>> -> memref<93x128xf32, #tpu.memory_space<vmem_shared>>
    tpu.wait_dma2 semaphore(%arg17 : memref<!tpu.dma_semaphore, #tpu.memory_space<semaphore_mem>>) src(%dma_wait3A_118 : memref<93x128xf32, #tpu.memory_space<vmem_shared>>) dst(%dma_wait3A_115 : memref<93x128xf32, #tpu.memory_space<hbm>>)
    %add3A_119 = arith.constant 8 : i32
    %add3A_120 = arith.addi %mul3A_2, %add3A_119 : i32
    %dma_wait3A_121 = arith.constant 208 : i32
    %dma_wait3A_122 = arith.constant 0 : i32
    %dma_wait3A_123 = tpu.memref_slice %arg6[%add3A_120, %dma_wait3A_121, %dma_wait3A_122] : memref<1024x301x128xf32, #tpu.memory_space<hbm>> -> memref<1x93x128xf32, #tpu.memory_space<hbm>>
    %dma_wait3A_124 = tpu.memref_squeeze %dma_wait3A_123 : memref<1x93x128xf32, #tpu.memory_space<hbm>> -> memref<93x128xf32, #tpu.memory_space<hbm>>
    %dma_wait3A_125 = arith.constant 8 : i32
    %dma_wait3A_126 = arith.constant 0 : i32
    %dma_wait3A_127 = tpu.memref_slice %arg12[%dma_wait3A_125, %dma_wait3A_126] : memref<104x128xf32, #tpu.memory_space<vmem_shared>> -> memref<93x128xf32, #tpu.memory_space<vmem_shared>>
    tpu.wait_dma2 semaphore(%arg17 : memref<!tpu.dma_semaphore, #tpu.memory_space<semaphore_mem>>) src(%dma_wait3A_127 : memref<93x128xf32, #tpu.memory_space<vmem_shared>>) dst(%dma_wait3A_124 : memref<93x128xf32, #tpu.memory_space<hbm>>)
    %add3A_128 = arith.constant 9 : i32
    %add3A_129 = arith.addi %mul3A_2, %add3A_128 : i32
    %dma_wait3A_130 = arith.constant 208 : i32
    %dma_wait3A_131 = arith.constant 0 : i32
    %dma_wait3A_132 = tpu.memref_slice %arg6[%add3A_129, %dma_wait3A_130, %dma_wait3A_131] : memref<1024x301x128xf32, #tpu.memory_space<hbm>> -> memref<1x93x128xf32, #tpu.memory_space<hbm>>
    %dma_wait3A_133 = tpu.memref_squeeze %dma_wait3A_132 : memref<1x93x128xf32, #tpu.memory_space<hbm>> -> memref<93x128xf32, #tpu.memory_space<hbm>>
    %dma_wait3A_134 = arith.constant 8 : i32
    %dma_wait3A_135 = arith.constant 0 : i32
    %dma_wait3A_136 = tpu.memref_slice %arg12[%dma_wait3A_134, %dma_wait3A_135] : memref<104x128xf32, #tpu.memory_space<vmem_shared>> -> memref<93x128xf32, #tpu.memory_space<vmem_shared>>
    tpu.wait_dma2 semaphore(%arg17 : memref<!tpu.dma_semaphore, #tpu.memory_space<semaphore_mem>>) src(%dma_wait3A_136 : memref<93x128xf32, #tpu.memory_space<vmem_shared>>) dst(%dma_wait3A_133 : memref<93x128xf32, #tpu.memory_space<hbm>>)
    %add3A_137 = arith.constant 10 : i32
    %add3A_138 = arith.addi %mul3A_2, %add3A_137 : i32
    %dma_wait3A_139 = arith.constant 208 : i32
    %dma_wait3A_140 = arith.constant 0 : i32
    %dma_wait3A_141 = tpu.memref_slice %arg6[%add3A_138, %dma_wait3A_139, %dma_wait3A_140] : memref<1024x301x128xf32, #tpu.memory_space<hbm>> -> memref<1x93x128xf32, #tpu.memory_space<hbm>>
    %dma_wait3A_142 = tpu.memref_squeeze %dma_wait3A_141 : memref<1x93x128xf32, #tpu.memory_space<hbm>> -> memref<93x128xf32, #tpu.memory_space<hbm>>
    %dma_wait3A_143 = arith.constant 8 : i32
    %dma_wait3A_144 = arith.constant 0 : i32
    %dma_wait3A_145 = tpu.memref_slice %arg12[%dma_wait3A_143, %dma_wait3A_144] : memref<104x128xf32, #tpu.memory_space<vmem_shared>> -> memref<93x128xf32, #tpu.memory_space<vmem_shared>>
    tpu.wait_dma2 semaphore(%arg17 : memref<!tpu.dma_semaphore, #tpu.memory_space<semaphore_mem>>) src(%dma_wait3A_145 : memref<93x128xf32, #tpu.memory_space<vmem_shared>>) dst(%dma_wait3A_142 : memref<93x128xf32, #tpu.memory_space<hbm>>)
    %add3A_146 = arith.constant 11 : i32
    %add3A_147 = arith.addi %mul3A_2, %add3A_146 : i32
    %dma_wait3A_148 = arith.constant 208 : i32
    %dma_wait3A_149 = arith.constant 0 : i32
    %dma_wait3A_150 = tpu.memref_slice %arg6[%add3A_147, %dma_wait3A_148, %dma_wait3A_149] : memref<1024x301x128xf32, #tpu.memory_space<hbm>> -> memref<1x93x128xf32, #tpu.memory_space<hbm>>
    %dma_wait3A_151 = tpu.memref_squeeze %dma_wait3A_150 : memref<1x93x128xf32, #tpu.memory_space<hbm>> -> memref<93x128xf32, #tpu.memory_space<hbm>>
    %dma_wait3A_152 = arith.constant 8 : i32
    %dma_wait3A_153 = arith.constant 0 : i32
    %dma_wait3A_154 = tpu.memref_slice %arg12[%dma_wait3A_152, %dma_wait3A_153] : memref<104x128xf32, #tpu.memory_space<vmem_shared>> -> memref<93x128xf32, #tpu.memory_space<vmem_shared>>
    tpu.wait_dma2 semaphore(%arg17 : memref<!tpu.dma_semaphore, #tpu.memory_space<semaphore_mem>>) src(%dma_wait3A_154 : memref<93x128xf32, #tpu.memory_space<vmem_shared>>) dst(%dma_wait3A_151 : memref<93x128xf32, #tpu.memory_space<hbm>>)
    %add3A_155 = arith.constant 12 : i32
    %add3A_156 = arith.addi %mul3A_2, %add3A_155 : i32
    %dma_wait3A_157 = arith.constant 208 : i32
    %dma_wait3A_158 = arith.constant 0 : i32
    %dma_wait3A_159 = tpu.memref_slice %arg6[%add3A_156, %dma_wait3A_157, %dma_wait3A_158] : memref<1024x301x128xf32, #tpu.memory_space<hbm>> -> memref<1x93x128xf32, #tpu.memory_space<hbm>>
    %dma_wait3A_160 = tpu.memref_squeeze %dma_wait3A_159 : memref<1x93x128xf32, #tpu.memory_space<hbm>> -> memref<93x128xf32, #tpu.memory_space<hbm>>
    %dma_wait3A_161 = arith.constant 8 : i32
    %dma_wait3A_162 = arith.constant 0 : i32
    %dma_wait3A_163 = tpu.memref_slice %arg12[%dma_wait3A_161, %dma_wait3A_162] : memref<104x128xf32, #tpu.memory_space<vmem_shared>> -> memref<93x128xf32, #tpu.memory_space<vmem_shared>>
    tpu.wait_dma2 semaphore(%arg17 : memref<!tpu.dma_semaphore, #tpu.memory_space<semaphore_mem>>) src(%dma_wait3A_163 : memref<93x128xf32, #tpu.memory_space<vmem_shared>>) dst(%dma_wait3A_160 : memref<93x128xf32, #tpu.memory_space<hbm>>)
    %add3A_164 = arith.constant 13 : i32
    %add3A_165 = arith.addi %mul3A_2, %add3A_164 : i32
    %dma_wait3A_166 = arith.constant 208 : i32
    %dma_wait3A_167 = arith.constant 0 : i32
    %dma_wait3A_168 = tpu.memref_slice %arg6[%add3A_165, %dma_wait3A_166, %dma_wait3A_167] : memref<1024x301x128xf32, #tpu.memory_space<hbm>> -> memref<1x93x128xf32, #tpu.memory_space<hbm>>
    %dma_wait3A_169 = tpu.memref_squeeze %dma_wait3A_168 : memref<1x93x128xf32, #tpu.memory_space<hbm>> -> memref<93x128xf32, #tpu.memory_space<hbm>>
    %dma_wait3A_170 = arith.constant 8 : i32
    %dma_wait3A_171 = arith.constant 0 : i32
    %dma_wait3A_172 = tpu.memref_slice %arg12[%dma_wait3A_170, %dma_wait3A_171] : memref<104x128xf32, #tpu.memory_space<vmem_shared>> -> memref<93x128xf32, #tpu.memory_space<vmem_shared>>
    tpu.wait_dma2 semaphore(%arg17 : memref<!tpu.dma_semaphore, #tpu.memory_space<semaphore_mem>>) src(%dma_wait3A_172 : memref<93x128xf32, #tpu.memory_space<vmem_shared>>) dst(%dma_wait3A_169 : memref<93x128xf32, #tpu.memory_space<hbm>>)
    %add3A_173 = arith.constant 14 : i32
    %add3A_174 = arith.addi %mul3A_2, %add3A_173 : i32
    %dma_wait3A_175 = arith.constant 208 : i32
    %dma_wait3A_176 = arith.constant 0 : i32
    %dma_wait3A_177 = tpu.memref_slice %arg6[%add3A_174, %dma_wait3A_175, %dma_wait3A_176] : memref<1024x301x128xf32, #tpu.memory_space<hbm>> -> memref<1x93x128xf32, #tpu.memory_space<hbm>>
    %dma_wait3A_178 = tpu.memref_squeeze %dma_wait3A_177 : memref<1x93x128xf32, #tpu.memory_space<hbm>> -> memref<93x128xf32, #tpu.memory_space<hbm>>
    %dma_wait3A_179 = arith.constant 8 : i32
    %dma_wait3A_180 = arith.constant 0 : i32
    %dma_wait3A_181 = tpu.memref_slice %arg12[%dma_wait3A_179, %dma_wait3A_180] : memref<104x128xf32, #tpu.memory_space<vmem_shared>> -> memref<93x128xf32, #tpu.memory_space<vmem_shared>>
    tpu.wait_dma2 semaphore(%arg17 : memref<!tpu.dma_semaphore, #tpu.memory_space<semaphore_mem>>) src(%dma_wait3A_181 : memref<93x128xf32, #tpu.memory_space<vmem_shared>>) dst(%dma_wait3A_178 : memref<93x128xf32, #tpu.memory_space<hbm>>)
    %add3A_182 = arith.constant 15 : i32
    %add3A_183 = arith.addi %mul3A_2, %add3A_182 : i32
    %dma_wait3A_184 = arith.constant 208 : i32
    %dma_wait3A_185 = arith.constant 0 : i32
    %dma_wait3A_186 = tpu.memref_slice %arg6[%add3A_183, %dma_wait3A_184, %dma_wait3A_185] : memref<1024x301x128xf32, #tpu.memory_space<hbm>> -> memref<1x93x128xf32, #tpu.memory_space<hbm>>
    %dma_wait3A_187 = tpu.memref_squeeze %dma_wait3A_186 : memref<1x93x128xf32, #tpu.memory_space<hbm>> -> memref<93x128xf32, #tpu.memory_space<hbm>>
    %dma_wait3A_188 = arith.constant 8 : i32
    %dma_wait3A_189 = arith.constant 0 : i32
    %dma_wait3A_190 = tpu.memref_slice %arg12[%dma_wait3A_188, %dma_wait3A_189] : memref<104x128xf32, #tpu.memory_space<vmem_shared>> -> memref<93x128xf32, #tpu.memory_space<vmem_shared>>
    tpu.wait_dma2 semaphore(%arg17 : memref<!tpu.dma_semaphore, #tpu.memory_space<semaphore_mem>>) src(%dma_wait3A_190 : memref<93x128xf32, #tpu.memory_space<vmem_shared>>) dst(%dma_wait3A_187 : memref<93x128xf32, #tpu.memory_space<hbm>>)
    %add3A_191 = arith.constant 16 : i32
    %add3A_192 = arith.addi %mul3A_2, %add3A_191 : i32
    %dma_wait3A_193 = arith.constant 208 : i32
    %dma_wait3A_194 = arith.constant 0 : i32
    %dma_wait3A_195 = tpu.memref_slice %arg6[%add3A_192, %dma_wait3A_193, %dma_wait3A_194] : memref<1024x301x128xf32, #tpu.memory_space<hbm>> -> memref<1x93x128xf32, #tpu.memory_space<hbm>>
    %dma_wait3A_196 = tpu.memref_squeeze %dma_wait3A_195 : memref<1x93x128xf32, #tpu.memory_space<hbm>> -> memref<93x128xf32, #tpu.memory_space<hbm>>
    %dma_wait3A_197 = arith.constant 8 : i32
    %dma_wait3A_198 = arith.constant 0 : i32
    %dma_wait3A_199 = tpu.memref_slice %arg12[%dma_wait3A_197, %dma_wait3A_198] : memref<104x128xf32, #tpu.memory_space<vmem_shared>> -> memref<93x128xf32, #tpu.memory_space<vmem_shared>>
    tpu.wait_dma2 semaphore(%arg17 : memref<!tpu.dma_semaphore, #tpu.memory_space<semaphore_mem>>) src(%dma_wait3A_199 : memref<93x128xf32, #tpu.memory_space<vmem_shared>>) dst(%dma_wait3A_196 : memref<93x128xf32, #tpu.memory_space<hbm>>)
    %add3A_200 = arith.constant 17 : i32
    %add3A_201 = arith.addi %mul3A_2, %add3A_200 : i32
    %dma_wait3A_202 = arith.constant 208 : i32
    %dma_wait3A_203 = arith.constant 0 : i32
    %dma_wait3A_204 = tpu.memref_slice %arg6[%add3A_201, %dma_wait3A_202, %dma_wait3A_203] : memref<1024x301x128xf32, #tpu.memory_space<hbm>> -> memref<1x93x128xf32, #tpu.memory_space<hbm>>
    %dma_wait3A_205 = tpu.memref_squeeze %dma_wait3A_204 : memref<1x93x128xf32, #tpu.memory_space<hbm>> -> memref<93x128xf32, #tpu.memory_space<hbm>>
    %dma_wait3A_206 = arith.constant 8 : i32
    %dma_wait3A_207 = arith.constant 0 : i32
    %dma_wait3A_208 = tpu.memref_slice %arg12[%dma_wait3A_206, %dma_wait3A_207] : memref<104x128xf32, #tpu.memory_space<vmem_shared>> -> memref<93x128xf32, #tpu.memory_space<vmem_shared>>
    tpu.wait_dma2 semaphore(%arg17 : memref<!tpu.dma_semaphore, #tpu.memory_space<semaphore_mem>>) src(%dma_wait3A_208 : memref<93x128xf32, #tpu.memory_space<vmem_shared>>) dst(%dma_wait3A_205 : memref<93x128xf32, #tpu.memory_space<hbm>>)
    %add3A_209 = arith.constant 18 : i32
    %add3A_210 = arith.addi %mul3A_2, %add3A_209 : i32
    %dma_wait3A_211 = arith.constant 208 : i32
    %dma_wait3A_212 = arith.constant 0 : i32
    %dma_wait3A_213 = tpu.memref_slice %arg6[%add3A_210, %dma_wait3A_211, %dma_wait3A_212] : memref<1024x301x128xf32, #tpu.memory_space<hbm>> -> memref<1x93x128xf32, #tpu.memory_space<hbm>>
    %dma_wait3A_214 = tpu.memref_squeeze %dma_wait3A_213 : memref<1x93x128xf32, #tpu.memory_space<hbm>> -> memref<93x128xf32, #tpu.memory_space<hbm>>
    %dma_wait3A_215 = arith.constant 8 : i32
    %dma_wait3A_216 = arith.constant 0 : i32
    %dma_wait3A_217 = tpu.memref_slice %arg12[%dma_wait3A_215, %dma_wait3A_216] : memref<104x128xf32, #tpu.memory_space<vmem_shared>> -> memref<93x128xf32, #tpu.memory_space<vmem_shared>>
    tpu.wait_dma2 semaphore(%arg17 : memref<!tpu.dma_semaphore, #tpu.memory_space<semaphore_mem>>) src(%dma_wait3A_217 : memref<93x128xf32, #tpu.memory_space<vmem_shared>>) dst(%dma_wait3A_214 : memref<93x128xf32, #tpu.memory_space<hbm>>)
    %add3A_218 = arith.constant 19 : i32
    %add3A_219 = arith.addi %mul3A_2, %add3A_218 : i32
    %dma_wait3A_220 = arith.constant 208 : i32
    %dma_wait3A_221 = arith.constant 0 : i32
    %dma_wait3A_222 = tpu.memref_slice %arg6[%add3A_219, %dma_wait3A_220, %dma_wait3A_221] : memref<1024x301x128xf32, #tpu.memory_space<hbm>> -> memref<1x93x128xf32, #tpu.memory_space<hbm>>
    %dma_wait3A_223 = tpu.memref_squeeze %dma_wait3A_222 : memref<1x93x128xf32, #tpu.memory_space<hbm>> -> memref<93x128xf32, #tpu.memory_space<hbm>>
    %dma_wait3A_224 = arith.constant 8 : i32
    %dma_wait3A_225 = arith.constant 0 : i32
    %dma_wait3A_226 = tpu.memref_slice %arg12[%dma_wait3A_224, %dma_wait3A_225] : memref<104x128xf32, #tpu.memory_space<vmem_shared>> -> memref<93x128xf32, #tpu.memory_space<vmem_shared>>
    tpu.wait_dma2 semaphore(%arg17 : memref<!tpu.dma_semaphore, #tpu.memory_space<semaphore_mem>>) src(%dma_wait3A_226 : memref<93x128xf32, #tpu.memory_space<vmem_shared>>) dst(%dma_wait3A_223 : memref<93x128xf32, #tpu.memory_space<hbm>>)
    %add3A_227 = arith.constant 20 : i32
    %add3A_228 = arith.addi %mul3A_2, %add3A_227 : i32
    %dma_wait3A_229 = arith.constant 208 : i32
    %dma_wait3A_230 = arith.constant 0 : i32
    %dma_wait3A_231 = tpu.memref_slice %arg6[%add3A_228, %dma_wait3A_229, %dma_wait3A_230] : memref<1024x301x128xf32, #tpu.memory_space<hbm>> -> memref<1x93x128xf32, #tpu.memory_space<hbm>>
    %dma_wait3A_232 = tpu.memref_squeeze %dma_wait3A_231 : memref<1x93x128xf32, #tpu.memory_space<hbm>> -> memref<93x128xf32, #tpu.memory_space<hbm>>
    %dma_wait3A_233 = arith.constant 8 : i32
    %dma_wait3A_234 = arith.constant 0 : i32
    %dma_wait3A_235 = tpu.memref_slice %arg12[%dma_wait3A_233, %dma_wait3A_234] : memref<104x128xf32, #tpu.memory_space<vmem_shared>> -> memref<93x128xf32, #tpu.memory_space<vmem_shared>>
    tpu.wait_dma2 semaphore(%arg17 : memref<!tpu.dma_semaphore, #tpu.memory_space<semaphore_mem>>) src(%dma_wait3A_235 : memref<93x128xf32, #tpu.memory_space<vmem_shared>>) dst(%dma_wait3A_232 : memref<93x128xf32, #tpu.memory_space<hbm>>)
    %add3A_236 = arith.constant 21 : i32
    %add3A_237 = arith.addi %mul3A_2, %add3A_236 : i32
    %dma_wait3A_238 = arith.constant 208 : i32
    %dma_wait3A_239 = arith.constant 0 : i32
    %dma_wait3A_240 = tpu.memref_slice %arg6[%add3A_237, %dma_wait3A_238, %dma_wait3A_239] : memref<1024x301x128xf32, #tpu.memory_space<hbm>> -> memref<1x93x128xf32, #tpu.memory_space<hbm>>
    %dma_wait3A_241 = tpu.memref_squeeze %dma_wait3A_240 : memref<1x93x128xf32, #tpu.memory_space<hbm>> -> memref<93x128xf32, #tpu.memory_space<hbm>>
    %dma_wait3A_242 = arith.constant 8 : i32
    %dma_wait3A_243 = arith.constant 0 : i32
    %dma_wait3A_244 = tpu.memref_slice %arg12[%dma_wait3A_242, %dma_wait3A_243] : memref<104x128xf32, #tpu.memory_space<vmem_shared>> -> memref<93x128xf32, #tpu.memory_space<vmem_shared>>
    tpu.wait_dma2 semaphore(%arg17 : memref<!tpu.dma_semaphore, #tpu.memory_space<semaphore_mem>>) src(%dma_wait3A_244 : memref<93x128xf32, #tpu.memory_space<vmem_shared>>) dst(%dma_wait3A_241 : memref<93x128xf32, #tpu.memory_space<hbm>>)
    %add3A_245 = arith.constant 22 : i32
    %add3A_246 = arith.addi %mul3A_2, %add3A_245 : i32
    %dma_wait3A_247 = arith.constant 208 : i32
    %dma_wait3A_248 = arith.constant 0 : i32
    %dma_wait3A_249 = tpu.memref_slice %arg6[%add3A_246, %dma_wait3A_247, %dma_wait3A_248] : memref<1024x301x128xf32, #tpu.memory_space<hbm>> -> memref<1x93x128xf32, #tpu.memory_space<hbm>>
    %dma_wait3A_250 = tpu.memref_squeeze %dma_wait3A_249 : memref<1x93x128xf32, #tpu.memory_space<hbm>> -> memref<93x128xf32, #tpu.memory_space<hbm>>
    %dma_wait3A_251 = arith.constant 8 : i32
    %dma_wait3A_252 = arith.constant 0 : i32
    %dma_wait3A_253 = tpu.memref_slice %arg12[%dma_wait3A_251, %dma_wait3A_252] : memref<104x128xf32, #tpu.memory_space<vmem_shared>> -> memref<93x128xf32, #tpu.memory_space<vmem_shared>>
    tpu.wait_dma2 semaphore(%arg17 : memref<!tpu.dma_semaphore, #tpu.memory_space<semaphore_mem>>) src(%dma_wait3A_253 : memref<93x128xf32, #tpu.memory_space<vmem_shared>>) dst(%dma_wait3A_250 : memref<93x128xf32, #tpu.memory_space<hbm>>)
    %add3A_254 = arith.constant 23 : i32
    %add3A_255 = arith.addi %mul3A_2, %add3A_254 : i32
    %dma_wait3A_256 = arith.constant 208 : i32
    %dma_wait3A_257 = arith.constant 0 : i32
    %dma_wait3A_258 = tpu.memref_slice %arg6[%add3A_255, %dma_wait3A_256, %dma_wait3A_257] : memref<1024x301x128xf32, #tpu.memory_space<hbm>> -> memref<1x93x128xf32, #tpu.memory_space<hbm>>
    %dma_wait3A_259 = tpu.memref_squeeze %dma_wait3A_258 : memref<1x93x128xf32, #tpu.memory_space<hbm>> -> memref<93x128xf32, #tpu.memory_space<hbm>>
    %dma_wait3A_260 = arith.constant 8 : i32
    %dma_wait3A_261 = arith.constant 0 : i32
    %dma_wait3A_262 = tpu.memref_slice %arg12[%dma_wait3A_260, %dma_wait3A_261] : memref<104x128xf32, #tpu.memory_space<vmem_shared>> -> memref<93x128xf32, #tpu.memory_space<vmem_shared>>
    tpu.wait_dma2 semaphore(%arg17 : memref<!tpu.dma_semaphore, #tpu.memory_space<semaphore_mem>>) src(%dma_wait3A_262 : memref<93x128xf32, #tpu.memory_space<vmem_shared>>) dst(%dma_wait3A_259 : memref<93x128xf32, #tpu.memory_space<hbm>>)
    %add3A_263 = arith.constant 24 : i32
    %add3A_264 = arith.addi %mul3A_2, %add3A_263 : i32
    %dma_wait3A_265 = arith.constant 208 : i32
    %dma_wait3A_266 = arith.constant 0 : i32
    %dma_wait3A_267 = tpu.memref_slice %arg6[%add3A_264, %dma_wait3A_265, %dma_wait3A_266] : memref<1024x301x128xf32, #tpu.memory_space<hbm>> -> memref<1x93x128xf32, #tpu.memory_space<hbm>>
    %dma_wait3A_268 = tpu.memref_squeeze %dma_wait3A_267 : memref<1x93x128xf32, #tpu.memory_space<hbm>> -> memref<93x128xf32, #tpu.memory_space<hbm>>
    %dma_wait3A_269 = arith.constant 8 : i32
    %dma_wait3A_270 = arith.constant 0 : i32
    %dma_wait3A_271 = tpu.memref_slice %arg12[%dma_wait3A_269, %dma_wait3A_270] : memref<104x128xf32, #tpu.memory_space<vmem_shared>> -> memref<93x128xf32, #tpu.memory_space<vmem_shared>>
    tpu.wait_dma2 semaphore(%arg17 : memref<!tpu.dma_semaphore, #tpu.memory_space<semaphore_mem>>) src(%dma_wait3A_271 : memref<93x128xf32, #tpu.memory_space<vmem_shared>>) dst(%dma_wait3A_268 : memref<93x128xf32, #tpu.memory_space<hbm>>)
    %add3A_272 = arith.constant 25 : i32
    %add3A_273 = arith.addi %mul3A_2, %add3A_272 : i32
    %dma_wait3A_274 = arith.constant 208 : i32
    %dma_wait3A_275 = arith.constant 0 : i32
    %dma_wait3A_276 = tpu.memref_slice %arg6[%add3A_273, %dma_wait3A_274, %dma_wait3A_275] : memref<1024x301x128xf32, #tpu.memory_space<hbm>> -> memref<1x93x128xf32, #tpu.memory_space<hbm>>
    %dma_wait3A_277 = tpu.memref_squeeze %dma_wait3A_276 : memref<1x93x128xf32, #tpu.memory_space<hbm>> -> memref<93x128xf32, #tpu.memory_space<hbm>>
    %dma_wait3A_278 = arith.constant 8 : i32
    %dma_wait3A_279 = arith.constant 0 : i32
    %dma_wait3A_280 = tpu.memref_slice %arg12[%dma_wait3A_278, %dma_wait3A_279] : memref<104x128xf32, #tpu.memory_space<vmem_shared>> -> memref<93x128xf32, #tpu.memory_space<vmem_shared>>
    tpu.wait_dma2 semaphore(%arg17 : memref<!tpu.dma_semaphore, #tpu.memory_space<semaphore_mem>>) src(%dma_wait3A_280 : memref<93x128xf32, #tpu.memory_space<vmem_shared>>) dst(%dma_wait3A_277 : memref<93x128xf32, #tpu.memory_space<hbm>>)
    %add3A_281 = arith.constant 26 : i32
    %add3A_282 = arith.addi %mul3A_2, %add3A_281 : i32
    %dma_wait3A_283 = arith.constant 208 : i32
    %dma_wait3A_284 = arith.constant 0 : i32
    %dma_wait3A_285 = tpu.memref_slice %arg6[%add3A_282, %dma_wait3A_283, %dma_wait3A_284] : memref<1024x301x128xf32, #tpu.memory_space<hbm>> -> memref<1x93x128xf32, #tpu.memory_space<hbm>>
    %dma_wait3A_286 = tpu.memref_squeeze %dma_wait3A_285 : memref<1x93x128xf32, #tpu.memory_space<hbm>> -> memref<93x128xf32, #tpu.memory_space<hbm>>
    %dma_wait3A_287 = arith.constant 8 : i32
    %dma_wait3A_288 = arith.constant 0 : i32
    %dma_wait3A_289 = tpu.memref_slice %arg12[%dma_wait3A_287, %dma_wait3A_288] : memref<104x128xf32, #tpu.memory_space<vmem_shared>> -> memref<93x128xf32, #tpu.memory_space<vmem_shared>>
    tpu.wait_dma2 semaphore(%arg17 : memref<!tpu.dma_semaphore, #tpu.memory_space<semaphore_mem>>) src(%dma_wait3A_289 : memref<93x128xf32, #tpu.memory_space<vmem_shared>>) dst(%dma_wait3A_286 : memref<93x128xf32, #tpu.memory_space<hbm>>)
    %add3A_290 = arith.constant 27 : i32
    %add3A_291 = arith.addi %mul3A_2, %add3A_290 : i32
    %dma_wait3A_292 = arith.constant 208 : i32
    %dma_wait3A_293 = arith.constant 0 : i32
    %dma_wait3A_294 = tpu.memref_slice %arg6[%add3A_291, %dma_wait3A_292, %dma_wait3A_293] : memref<1024x301x128xf32, #tpu.memory_space<hbm>> -> memref<1x93x128xf32, #tpu.memory_space<hbm>>
    %dma_wait3A_295 = tpu.memref_squeeze %dma_wait3A_294 : memref<1x93x128xf32, #tpu.memory_space<hbm>> -> memref<93x128xf32, #tpu.memory_space<hbm>>
    %dma_wait3A_296 = arith.constant 8 : i32
    %dma_wait3A_297 = arith.constant 0 : i32
    %dma_wait3A_298 = tpu.memref_slice %arg12[%dma_wait3A_296, %dma_wait3A_297] : memref<104x128xf32, #tpu.memory_space<vmem_shared>> -> memref<93x128xf32, #tpu.memory_space<vmem_shared>>
    tpu.wait_dma2 semaphore(%arg17 : memref<!tpu.dma_semaphore, #tpu.memory_space<semaphore_mem>>) src(%dma_wait3A_298 : memref<93x128xf32, #tpu.memory_space<vmem_shared>>) dst(%dma_wait3A_295 : memref<93x128xf32, #tpu.memory_space<hbm>>)
    %add3A_299 = arith.constant 28 : i32
    %add3A_300 = arith.addi %mul3A_2, %add3A_299 : i32
    %dma_wait3A_301 = arith.constant 208 : i32
    %dma_wait3A_302 = arith.constant 0 : i32
    %dma_wait3A_303 = tpu.memref_slice %arg6[%add3A_300, %dma_wait3A_301, %dma_wait3A_302] : memref<1024x301x128xf32, #tpu.memory_space<hbm>> -> memref<1x93x128xf32, #tpu.memory_space<hbm>>
    %dma_wait3A_304 = tpu.memref_squeeze %dma_wait3A_303 : memref<1x93x128xf32, #tpu.memory_space<hbm>> -> memref<93x128xf32, #tpu.memory_space<hbm>>
    %dma_wait3A_305 = arith.constant 8 : i32
    %dma_wait3A_306 = arith.constant 0 : i32
    %dma_wait3A_307 = tpu.memref_slice %arg12[%dma_wait3A_305, %dma_wait3A_306] : memref<104x128xf32, #tpu.memory_space<vmem_shared>> -> memref<93x128xf32, #tpu.memory_space<vmem_shared>>
    tpu.wait_dma2 semaphore(%arg17 : memref<!tpu.dma_semaphore, #tpu.memory_space<semaphore_mem>>) src(%dma_wait3A_307 : memref<93x128xf32, #tpu.memory_space<vmem_shared>>) dst(%dma_wait3A_304 : memref<93x128xf32, #tpu.memory_space<hbm>>)
    %add3A_308 = arith.constant 29 : i32
    %add3A_309 = arith.addi %mul3A_2, %add3A_308 : i32
    %dma_wait3A_310 = arith.constant 208 : i32
    %dma_wait3A_311 = arith.constant 0 : i32
    %dma_wait3A_312 = tpu.memref_slice %arg6[%add3A_309, %dma_wait3A_310, %dma_wait3A_311] : memref<1024x301x128xf32, #tpu.memory_space<hbm>> -> memref<1x93x128xf32, #tpu.memory_space<hbm>>
    %dma_wait3A_313 = tpu.memref_squeeze %dma_wait3A_312 : memref<1x93x128xf32, #tpu.memory_space<hbm>> -> memref<93x128xf32, #tpu.memory_space<hbm>>
    %dma_wait3A_314 = arith.constant 8 : i32
    %dma_wait3A_315 = arith.constant 0 : i32
    %dma_wait3A_316 = tpu.memref_slice %arg12[%dma_wait3A_314, %dma_wait3A_315] : memref<104x128xf32, #tpu.memory_space<vmem_shared>> -> memref<93x128xf32, #tpu.memory_space<vmem_shared>>
    tpu.wait_dma2 semaphore(%arg17 : memref<!tpu.dma_semaphore, #tpu.memory_space<semaphore_mem>>) src(%dma_wait3A_316 : memref<93x128xf32, #tpu.memory_space<vmem_shared>>) dst(%dma_wait3A_313 : memref<93x128xf32, #tpu.memory_space<hbm>>)
    %add3A_317 = arith.constant 30 : i32
    %add3A_318 = arith.addi %mul3A_2, %add3A_317 : i32
    %dma_wait3A_319 = arith.constant 208 : i32
    %dma_wait3A_320 = arith.constant 0 : i32
    %dma_wait3A_321 = tpu.memref_slice %arg6[%add3A_318, %dma_wait3A_319, %dma_wait3A_320] : memref<1024x301x128xf32, #tpu.memory_space<hbm>> -> memref<1x93x128xf32, #tpu.memory_space<hbm>>
    %dma_wait3A_322 = tpu.memref_squeeze %dma_wait3A_321 : memref<1x93x128xf32, #tpu.memory_space<hbm>> -> memref<93x128xf32, #tpu.memory_space<hbm>>
    %dma_wait3A_323 = arith.constant 8 : i32
    %dma_wait3A_324 = arith.constant 0 : i32
    %dma_wait3A_325 = tpu.memref_slice %arg12[%dma_wait3A_323, %dma_wait3A_324] : memref<104x128xf32, #tpu.memory_space<vmem_shared>> -> memref<93x128xf32, #tpu.memory_space<vmem_shared>>
    tpu.wait_dma2 semaphore(%arg17 : memref<!tpu.dma_semaphore, #tpu.memory_space<semaphore_mem>>) src(%dma_wait3A_325 : memref<93x128xf32, #tpu.memory_space<vmem_shared>>) dst(%dma_wait3A_322 : memref<93x128xf32, #tpu.memory_space<hbm>>)
    %add3A_326 = arith.constant 31 : i32
    %add3A_327 = arith.addi %mul3A_2, %add3A_326 : i32
    %dma_wait3A_328 = arith.constant 208 : i32
    %dma_wait3A_329 = arith.constant 0 : i32
    %dma_wait3A_330 = tpu.memref_slice %arg6[%add3A_327, %dma_wait3A_328, %dma_wait3A_329] : memref<1024x301x128xf32, #tpu.memory_space<hbm>> -> memref<1x93x128xf32, #tpu.memory_space<hbm>>
    %dma_wait3A_331 = tpu.memref_squeeze %dma_wait3A_330 : memref<1x93x128xf32, #tpu.memory_space<hbm>> -> memref<93x128xf32, #tpu.memory_space<hbm>>
    %dma_wait3A_332 = arith.constant 8 : i32
    %dma_wait3A_333 = arith.constant 0 : i32
    %dma_wait3A_334 = tpu.memref_slice %arg12[%dma_wait3A_332, %dma_wait3A_333] : memref<104x128xf32, #tpu.memory_space<vmem_shared>> -> memref<93x128xf32, #tpu.memory_space<vmem_shared>>
    tpu.wait_dma2 semaphore(%arg17 : memref<!tpu.dma_semaphore, #tpu.memory_space<semaphore_mem>>) src(%dma_wait3A_334 : memref<93x128xf32, #tpu.memory_space<vmem_shared>>) dst(%dma_wait3A_331 : memref<93x128xf32, #tpu.memory_space<hbm>>)
    return
  }
}

</mosaic_0001>

<sc_bundles>
// kernel: kernel.3.cloned.1.call-start
scs
__scs_entry_jumppad:
0x0: {  	(pc) =	sbr.rel $0x88, $3  }
0x1: {  	(tag) =	ssettag $0x0;
	lr =	simm.s32 $0x1  }
0x2: {  	[smem:$0x3F9E] =	sst lr;
	_ =	strace $0xD0000000  }
0x3: {  	_ = 	snop  }
0x4: {  	_ = 	snop  }
0x5: {  	_ = 	snop  }
0x6: {  	_ = 	snop  }
0x7: {  	_ = 	snop  }
__scs_overlays_trampoline_lowered:
0x8: {  	[smem:$0x3FAD] =	sst s0  }
0x9: {  	[smem:$0x3FAE] =	sst s1  }
0xa: {  	[smem:$0x3FAF] =	sst s2  }
0xb: {  	[smem:$0x3FB0] =	sst s3  }
0xc: {  	[smem:$0x3FB1] =	sst s4  }
0xd: {  	[smem:$0x3FB2] =	sst s5  }
0xe: {  	[smem:$0x3FB3] =	sst s6  }
0xf: {  	[smem:$0x3FB4] =	sst s7  }
0x10: {  	[smem:$0x3FB5] =	sst s8  }
0x11: {  	[smem:$0x3FB6] =	sst s9;
	s0 =	simm.s32 @!p0 $0x0  }
0x12: {  	s1 =	sld [smem:$0x3F9C];
	s0 =	simm.s32 @p0 $0x1  }
0x13: {  	[smem:$0x3FB7] =	sst s0;
	s0 =	simm.s32 @!p1 $0x0  }
0x14: {  	s2 =	sld [smem:$0x3F9B];
	s0 =	simm.s32 @p1 $0x1  }
0x15: {  	[smem:$0x3FB8] =	sst s0;
	s0 =	simm.s32 @!p2 $0x0  }
0x16: {  	s3 =	sld [smem:$0x3FDB];
	s0 =	simm.s32 @p2 $0x1  }
0x17: {  	s4 =	simm.s32 $0x1BF5;
	[smem:$0x3FBA] =	sst s0  }
0x18: {  	s0 =	sld [smem:$0x3F9D];
	_ =	swait.ge [sflag:s4], $0x0  }
0x19: {  	s7 =	sld [smem:$0x3F9E]  }
0x1a: {  	s8 =	sadd.s32 $0xFFFFE003, lr  }
0x1b: {  	s9 =	sadd.s32 $0xFFFFFEF7, lr;
	s5 =	simm.s32 $0xFFFFFFFF;
	p2 =	slt.u32 s8, $0xFFFFF086  }
0x1c: {  	p1 =	slt.u32 s9, $0xF7A;
	s5 =	simm.s32 @!p2 $0x0  }
0x1d: {  	s5 =	simm.s32 @p1 $0x1;
	p0 =	seq.s32 s7, s2  }
0x1e: {  	s7 =	smul.u32 @!p0 $0xF7A, s2;
	p2 =	seq.s32 @!p0 s5, $0x0  }
0x1f: {  	s9 =	smul.u32 $0xF7A, s1;
	s8 =	simm.s32 @!p0 $0x1BF5;
	p2 =	por !p2, p0  }
0x20: {  	[sflag:s8] =	ssyncset.s32 @!p0 $0xFFFFF086;
	s6 =	sadd.s32 @!p0 s3, s7;
	s7 =	simm.s32 @!p0 $0x108  }
0x21: {  	s3 =	sadd.s32 s3, s9;
	s6 =	sadd.s32 @!p0 $0x88, s6;
	s7 =	simm.s32 @p2 $0x1082  }
0x22: {  	[simem:s7], [sflag:s8] =	dma.local @!p0 [hbm:s6], $0xF7A  }
0x23: {  	s9 =	sor.u32 $0xD0000000, s2;
	s6 =	simm.s32 $0x108;
	_ =	swait.ge @!p0 [sflag:s8], $0x0  }
0x24: {  	s3 =	sadd.s32 $0x88, s3;
	s6 =	simm.s32 @!p1 $0x1082;
	[sflag:s4] =	ssyncset.s32 $0xFFFFF086  }
0x25: {  	[simem:s6], [sflag:s4] =	dma.local [hbm:s3], $0xF7A  }
0x26: {  	[smem:$0x3F9E] =	sst s1;
	(tag) =	ssettag s2;
	_ =	strace s9  }
0x27: {  	s1 =	sld [smem:$0x3FAE]  }
0x28: {  	s2 =	sld [smem:$0x3FAF]  }
0x29: {  	s4 =	sld [smem:$0x3FB1]  }
0x2a: {  	p0 =	seq.s32 s5, $0x0;
	s5 =	sld [smem:$0x3FB2]  }
0x2b: {  	s6 =	sld [smem:$0x3FB3]  }
0x2c: {  	s7 =	sld [smem:$0x3FB4]  }
0x2d: {  	s3 =	simm.s32 $0x108;
	s8 =	sld [smem:$0x3FB5]  }
0x2e: {  	s3 =	simm.s32 @!p0 $0x1082;
	s9 =	sld [smem:$0x3FB6]  }
0x2f: {  	lr =	sadd.s32 s0, s3;
	s0 =	sld [smem:$0x3FAD]  }
0x30: {  	s3 =	sld [smem:$0x3FB0]  }
0x31: {  	[smem:$0x3FB9] =	sst s10  }
0x32: {  	s10 =	sld [smem:$0x3FB7];
	_ =	sdelay $0x3  }
0x33: {  	p0 =	seq.s32 s10, $0x1;
	s10 =	sld [smem:$0x3FB9];
	_ =	sdelay $0x3  }
0x34: {  	[smem:$0x3FB9] =	sst s10  }
0x35: {  	s10 =	sld [smem:$0x3FB8];
	_ =	sdelay $0x3  }
0x36: {  	p1 =	seq.s32 s10, $0x1;
	s10 =	sld [smem:$0x3FB9];
	_ =	sdelay $0x3  }
0x37: {  	[smem:$0x3FB9] =	sst s10  }
0x38: {  	s10 =	sld [smem:$0x3FBA]  }
0x39: {  	_ = 	snop;
	(pc) =	sbr.ind lr, $3  }
0x3a: {  	_ = 	snop  }
0x3b: {  	_ = 	snop  }
0x3c: {  	p2 =	seq.s32 s10, $0x1;
	s10 =	sld [smem:$0x3FB9]  }
0x3d: {  	_ =	shalt  }
0x3e: {  	_ =	shalt  }
0x3f: {  	_ =	shalt  }
0x40: {  	_ =	shalt  }
0x41: {  	_ =	shalt  }
0x42: {  	_ =	shalt  }
0x43: {  	_ =	shalt  }
0x44: {  	_ =	shalt  }
0x45: {  	_ =	shalt  }
0x46: {  	_ =	shalt  }
0x47: {  	_ =	shalt  }
0x48: {  	_ =	shalt  }
0x49: {  	_ =	shalt  }
0x4a: {  	_ =	shalt  }
0x4b: {  	_ =	shalt  }
0x4c: {  	_ =	shalt  }
0x4d: {  	_ =	shalt  }
0x4e: {  	_ =	shalt  }
0x4f: {  	_ =	shalt  }
0x50: {  	_ =	shalt  }
0x51: {  	_ =	shalt  }
0x52: {  	_ =	shalt  }
0x53: {  	_ =	shalt  }
0x54: {  	_ =	shalt  }
0x55: {  	_ =	shalt  }
0x56: {  	_ =	shalt  }
0x57: {  	_ =	shalt  }
0x58: {  	_ =	shalt  }
0x59: {  	_ =	shalt  }
0x5a: {  	_ =	shalt  }
0x5b: {  	_ =	shalt  }
0x5c: {  	_ =	shalt  }
0x5d: {  	_ =	shalt  }
0x5e: {  	_ =	shalt  }
0x5f: {  	_ =	shalt  }
0x60: {  	_ =	shalt  }
0x61: {  	_ =	shalt  }
0x62: {  	_ =	shalt  }
0x63: {  	_ =	shalt  }
0x64: {  	_ =	shalt  }
0x65: {  	_ =	shalt  }
0x66: {  	_ =	shalt  }
0x67: {  	_ =	shalt  }
0x68: {  	_ =	shalt  }
0x69: {  	_ =	shalt  }
0x6a: {  	_ =	shalt  }
0x6b: {  	_ =	shalt  }
0x6c: {  	_ =	shalt  }
0x6d: {  	_ =	shalt  }
0x6e: {  	_ =	shalt  }
0x6f: {  	_ =	shalt  }
0x70: {  	_ =	shalt  }
0x71: {  	_ =	shalt  }
0x72: {  	_ =	shalt  }
0x73: {  	_ =	shalt  }
0x74: {  	_ =	shalt  }
0x75: {  	_ =	shalt  }
0x76: {  	_ =	shalt  }
0x77: {  	_ =	shalt  }
0x78: {  	_ =	shalt  }
0x79: {  	_ =	shalt  }
0x7a: {  	_ =	shalt  }
0x7b: {  	_ =	shalt  }
0x7c: {  	_ =	shalt  }
0x7d: {  	_ =	shalt  }
0x7e: {  	_ =	shalt  }
0x7f: {  	_ =	shalt  }
0x80: {  	_ =	shalt  }
0x81: {  	_ =	shalt  }
0x82: {  	_ =	shalt  }
0x83: {  	_ =	shalt  }
0x84: {  	_ =	shalt  }
0x85: {  	_ =	shalt  }
0x86: {  	_ =	shalt  }
0x87: {  	_ =	shalt  }
.Lfunc_end0:
.L_simem_size_0:
called_computation_lowered:
.L_overlay_start_0:
0x88: {  	s2 =	sld [smem:$0x3FD9]  }
0x89: {  	s3 =	sld [smem:$0x3FFE];
	_ =	sdelay $0x1  }
0x8a: {  	s1 =	srdreg.scid  }
0x8b: {  	s0 =	sand.u32 $0x1, s1  }
0x8c: {  	s17 =	sshll.u32 s0, $0xA;
	s2 =	sadd.s32 s3, s2  }
0x8d: {  	s2 =	sadd.s32 s2, s17  }
0x8e: {  	[smem:$0x3FC5] =	sst s2  }
0x8f: {  	_ = 	snop  }
0x90: {  	s2 =	sld [smem:$0x3FC9]  }
0x91: {  	s18 =	sld [smem:$0x3FC8]  }
0x92: {  	s4 =	sld [smem:$0x3FD0];
	(tm) =	ssettm $0x1  }
0x93: {  	s5 =	sld [smem:$0x3FFB];
	_ =	sdelay $0x3  }
0x94: {  	_ =	strace s5  }
0x95: {  	s5 =	sld [smem:$0x3FFC];
	_ =	sdelay $0x3  }
0x96: {  	_ =	strace s5  }
0x97: {  	s5 =	sld [smem:$0x3FFD];
	_ =	sdelay $0x3  }
0x98: {  	_ =	strace s5  }
0x99: {  	_ =	strace $0x8FFFFFFF  }
0x9a: {  	s19 =	sld [smem:$0x3FDB];
	_ =	sdelay $0x1  }
0x9b: {  	s6 =	simm.s32 $_scs_section_size  }
0x9c: {  	s7 =	simm.s32 $_size__tile_overlayer_lowered;
	s8 =	simm.s32 $_tile_overlayer_lowered  }
0x9d: {  	s22 =	simm.s32 $0x1BFF;
	s21 =	sshll.u32 s8, $0x1;
	s5 =	sadd.s32 s6, s19  }
0x9e: {  	s9 =	simm.s32 $0x0;
	s20 =	sshll.u32 s7, $0x1;
	s7 =	sadd.s32 s21, s5  }
0x9f: {  	[timem:s9], [sflag:s22] =	dma.local [hbm:s7], s20  }
0xa0: {  	_ =	swait.ge [sflag:s22], s20  }
0xa1: {  	s6 =	ssub.s32 $0x0, s20;
	[sflag:s22] =	ssyncset.done $0x0  }
0xa2: {  	[sflag:s22] =	ssyncadd.s32 s6;
	_ =	sdelay $0x1  }
0xa3: {  	s23 =	simm.s32 $0x1B8B  }
0xa4: {  	_ =	swait.ge [sflag:s23], $0x1  }
0xa5: {  	[sflag:s23] =	ssyncset.done $0x0  }
0xa6: {  	s25 =	simm.s32 $0x1B8E;
	s24 =	sld [smem:$0x3FFE];
	[sflag:s23] =	ssyncadd.s32 $0xFFFFFFFF  }
0xa7: {  	s26 =	simm.s32 $execute0_lowered;
	[smem:$0x3FD2] =	sst s25  }
0xa8: {  	s7 =	sshll.u32 s26, $0x1;
	_ =	strace $0x80000046;
	[dreg:$0x1] =	wrdreg $0xFFFFFFFF  }
0xa9: {  	s28 =	simm.s32 $_size_execute0_lowered;
	s5 =	sadd.s32 s5, s7;
	[dreg:$0x0] =	wrdreg $0x0  }
0xaa: {  	s7 =	sshll.u32 s28, $0x1;
	[dreg:$0x2] =	wrdreg s5  }
0xab: {  	[dreg:$0x3] =	wrdreg s7  }
0xac: {  	[dreg:$0x4] =	wrdreg $0xC0  }
0xad: {  	_ =	task [dreg:s9], $0x5FFFF  }
0xae: {  	[dreg:$0x1] =	wrdreg $0xFFFFFFFF  }
0xaf: {  	[dreg:$0x0] =	wrdreg $0x60  }
0xb0: {  	[dreg:$0x2] =	wrdreg s2  }
0xb1: {  	[dreg:$0x3] =	wrdreg s18  }
0xb2: {  	[dreg:$0x4] =	wrdreg s4  }
0xb3: {  	[dreg:$0x5] =	wrdreg s24  }
0xb4: {  	[dreg:$0x6] =	wrdreg $0x1FC000  }
0xb5: {  	[dreg:$0x7] =	wrdreg $0x9  }
0xb6: {  	_ =	task.clear_ibuf [dreg:s9], $0x8FFFF;
	_ =	strace $0x90000046  }
0xb7: {  	s29 =	simm.s32 $0x9;
	_ =	strace $0x80000048  }
0xb8: {  	_ =	swait.ge [sflag:s29], $0x1  }
0xb9: {  	[sflag:s29] =	ssyncadd.s32 $0xFFFFFFFF  }
0xba: {  	_ =	strace $0x90000048  }
0xbb: {  	_ =	sfence  }
0xbc: {  	s30 =	sld [smem:$0x0];
	_ =	sdelay $0x2  }
0xbd: {  	s31 =	sshll.u32 s1, $0xD;
	s1 =	sshrl.u32 s1, $0x2  }
0xbe: {  	s3 =	sand.u32 $0x4000, s31;
	s1 =	sadd.s32 s1, s30  }
0xbf: {  	s0 =	sor.u32 s3, s0;
	s1 =	sshll.u32 s1, $0x11  }
0xc0: {  	s0 =	sor.u32 s1, s0  }
0xc1: {  	s0 =	sadd.s32 $0x8F2B, s0  }
0xc2: {  	[sflag:s0] =	ssyncadd.remote.s32 $0x1  }
0xc3: {  	_ =	sfence.sel $0xFFFF  }
0xc4: {  	[dreg:$0x0] =	wrdreg $0xFFFFFFFF;
	(pc) =	sbr.abs _section_cstart, $3  }
0xc5: {  	[dreg:$0x1] =	wrdreg $0xFFFFFFFF  }
0xc6: {  	_ =	task.clear_ibuf [dreg:s9], $0x2FFFF;
	_ =	strace $0x9FFFFFFF  }
0xc7: {  	(tm) =	ssettm $0x7FFFFFFF  }
tec
execute0_lowered:
.L_overlay_start_1:
0x0: {  	(tag) =	ssettag $0x1  }
0x1: {  	s0 =	rddreg [dreg:$0x0]  }
0x2: {  	s1 =	srdreg.scid;
	s2 =	rddreg [dreg:$0x3]  }
0x3: {  	s3 =	stileid.u32;
	s17 =	rddreg [dreg:$0x4];
	s5 =	simm.s32 $0x0  }
0x4: {  	s14 =	simm.s32 $0x6;
	s15 =	simm.s32 $0x12C00;
	s16 =	simm.s32 $0x19400  }
0x5: {  	s24 =	simm.s32 $0x1;
	s25 =	simm.s32 $0x2;
	s28 =	simm.s32 $0x4  }
0x6: {  	s29 =	simm.s32 $0x5;
	s30 =	simm.s32 $0x0;
	s1 =	sand.u32 $0x1, s1  }
0x7: {  	s4 =	sshll.u32 s3, $0x6;
	[smem:$0x7FF] =	sst s5;
	s8 =	sadd.s32 $0x400, s2  }
0x8: {  	s9 =	sadd.s32 $0xC00, s2;
	s31 =	sadd.s32 $0x400, s17;
	s6 =	sshll.u32 s1, $0x5  }
0x9: {  	p0 =	sne.s32 s3, $0x0;
	_ =	strace $0x80000047;
	s6 =	sor.u32 s6, s4  }
0xa: {  	s1 =	ssub.s32 $0x2, s1;
	[dreg:$0x6] =	wrdreg s8;
	s7 =	smul.u32 $0xC80, s6  }
0xb: {  	s17 =	sshrl.u32 @!p0 s17, $0x3;
	s22 =	sor.u32 $0x1C05, s4;
	s10 =	sshrl.u32 s1, $0x1  }
0xc: {  	s23 =	sshrl.u32 s31, $0x3;
	s1 =	ssub.s32 s1, s10;
	s8 =	sadd.s32 s0, s7  }
0xd: {  	s11 =	sor.u32 $0x2, s6;
	s12 =	sor.u32 $0x3, s6;
	s26 =	sadd.s32 $0xC80, s8  }
0xe: {  	s13 =	smax.u32 s1, $0x1;
	[dreg:$0x7] =	wrdreg s26;
	s26 =	simm.s32 $0x3  }
.LBB2_1:
0xf: {  	s1 =	rddreg [dreg:$0x2]  }
0x10: {  	[tilespmem:s5], [sflag:$0x6] =	stream.linear.gather [hbm4b:s1+s5], $0x6400, $0x38;
	[tilespmem:$0x1FF40] =	vst v63  }
0x11: {  	_ =	swait.ge [sflag:s14], $0x6400  }
0x12: {  	[sflag:s14] =	ssyncset.done $0x0  }
0x13: {  	[sflag:s14] =	ssyncadd.s32 $0xFFFF9C00  }
0x14: {  	s4 =	rddreg [dreg:$0x1]  }
0x15: {  	[tilespmem:s15], [sflag:$0x6] =	stream.linear.gather [hbm4b:s4+s5], $0x400, $0x38;
	[tilespmem:$0x1FF40] =	vst v63  }
0x16: {  	_ =	swait.ge [sflag:s14], $0x400  }
0x17: {  	[sflag:s14] =	ssyncset.done $0x0  }
0x18: {  	[sflag:s14] =	ssyncadd.s32 $0xFFFFFC00  }
0x19: {  	[tilespmem:s16], [sflag:$0x6] =	stream.linear.gather [hbm4b:s4+s5], $0x400, $0x38;
	[tilespmem:$0x1FF40] =	vst v63  }
0x1a: {  	_ =	swait.ge [sflag:s14], $0x400  }
0x1b: {  	[sflag:s14] =	ssyncset.done $0x0  }
0x1c: {  	s1 =	simm.s32 @!p0 $0x1C06;
	s2 =	rddreg [dreg:$0x6];
	[sflag:s14] =	ssyncadd.s32 $0xFFFFFC00  }
0x1d: {  	[spmem:s17], [sflag:s1] =	dma.local @!p0 [hbm:s2], $0x680  }
0x1e: {  	s1 =	simm.s32 @!p0 $0x6  }
0x1f: {  	_ =	swait.ge @!p0 [sflag:s1], $0x680  }
0x20: {  	[sflag:s1] =	ssyncset.done @!p0 $0x0  }
0x21: {  	[sflag:s1] =	ssyncadd.s32 @!p0 $0xFFFFF980  }
0x22: {  	[bflag:$0x0] =	sbarrier.arrive $0xFFFF  }
0x23: {  	s10 =	simm.s32 $0x19000;
	s7 =	rddreg [dreg:$0x4]  }
0x24: {  	[tilespmem:s10], [sflag:$0x6] =	stream.linear.gather [spmem:s7], $0x400, $0x38;
	[tilespmem:$0x1FF40] =	vst v63  }
0x25: {  	_ =	swait.ge [sflag:s14], $0x400  }
0x26: {  	[sflag:s14] =	ssyncset.done $0x0  }
0x27: {  	s18 =	simm.s32 $0x1F800;
	[sflag:s14] =	ssyncadd.s32 $0xFFFFFC00  }
0x28: {  	[tilespmem:s18], [sflag:$0x6] =	stream.linear.gather [spmem:s7], $0x400, $0x38;
	[tilespmem:$0x1FF40] =	vst v63  }
0x29: {  	_ =	swait.ge [sflag:s14], $0x400  }
0x2a: {  	[sflag:s14] =	ssyncset.done $0x0  }
0x2b: {  	s19 =	simm.s32 $0x6400;
	[sflag:s14] =	ssyncadd.s32 $0xFFFFFC00  }
0x2c: {  	[tilespmem:s19], [sflag:$0x1] =	stream.linear.gather [hbm4b:s8+s5], $0x6400, $0x38;
	[tilespmem:$0x1FF40] =	vst v63  }
0x2d: {  	s21 =	simm.s32 $0xC800;
	s31 =	simm.s32 $0x0;
	s20 =	rddreg [dreg:$0x7]  }
0x2e: {  	[tilespmem:s21], [sflag:$0x2] =	stream.linear.gather [hbm4b:s20+s5], $0x6400, $0x38;
	[tilespmem:$0x1FF40] =	vst v63  }
.LBB2_2:
0x2f: {  	s3 =	sshll.u32 s31, $0x1  }
0x30: {  	s1 =	sor.u32 s6, s3  }
0x31: {  	s2 =	smul.u32 $0x9800, s1;
	_ =	sdelay $0x1  }
0x32: {  	s1 =	sshrl.u32 s2, $0x3  }
0x33: {  	s18 =	sadd.s32 s9, s1  }
0x34: {  	s1 =	sadd.s32 $0xD00, s18  }
0x35: {  	[hbm:s1], [sflag:s22] =	dma.local [spmem:s23], $0x5D0  }
0x36: {  	_ =	swait.ge [sflag:s24], $0x6400  }
0x37: {  	p2 =	seq.s32 s31, $0x0;
	[sflag:s24] =	ssyncset.done $0x0  }
0x38: {  	s1 =	simm.s32 @!p2 $0x3;
	[sflag:s24] =	ssyncadd.s32 $0xFFFF9C00  }
0x39: {  	_ =	swait.ge @!p2 [sflag:s1], $0x6800  }
0x3a: {  	[sflag:s1] =	ssyncset.done @!p2 $0x0  }
0x3b: {  	s19 =	simm.s32 $0x6500;
	[sflag:s1] =	ssyncadd.s32 @!p2 $0xFFFF9800  }
0x3c: {  	s20 =	simm.s32 $0x100;
	v0 =	vld [tilespmem:s19+$0x80]  }
0x3d: {  	v1 =	vld [tilespmem:s20+$0x80];
	_ =	sdelay $0x2  }
0x3e: {  	v2 =	vld [tilespmem:s19+$0xFFFFFF80]  }
0x3f: {  	v3 =	vld [tilespmem:s20+$0xFFFFFF80]  }
0x40: {  	v4 =	vld [tilespmem:s20+$0xFFFFFF00];
	v0 =	vadd.f32 v1, v0  }
0x41: {  	s21 =	simm.s32 $0x12D40;
	v1 =	vld [tilespmem:s19+$0xFFFFFF00]  }
0x42: {  	[tilespmem:s21+$0xC0] =	vst v0  }
0x43: {  	v0 =	vld [tilespmem:s19+$0x90]  }
0x44: {  	v2 =	vadd.f32 v3, v2;
	v3 =	vld [tilespmem:s20+$0x90]  }
0x45: {  	v5 =	vld [tilespmem:s19+$0x0]  }
0x46: {  	v6 =	vld [tilespmem:s20+$0x0];
	[tilespmem:s21+$0xFFFFFFC0] =	vst v2;
	v1 =	vadd.f32 v4, v1  }
0x47: {  	v2 =	vld [tilespmem:s19+$0xFFFFFF90]  }
0x48: {  	v4 =	vld [tilespmem:s20+$0xFFFFFF90];
	[tilespmem:s21+$0xFFFFFF40] =	vst v1  }
0x49: {  	v1 =	vld [tilespmem:s19+$0xFFFFFF10];
	v0 =	vadd.f32 v3, v0  }
0x4a: {  	v3 =	vld [tilespmem:s20+$0xFFFFFF10]  }
0x4b: {  	v5 =	vadd.f32 v6, v5;
	[tilespmem:s21+$0xD0] =	vst v0  }
0x4c: {  	v0 =	vld [tilespmem:s19+$0xA0]  }
0x4d: {  	[tilespmem:s21+$0x40] =	vst v5;
	v2 =	vadd.f32 v4, v2;
	v4 =	vld [tilespmem:s20+$0xA0]  }
0x4e: {  	v5 =	vld [tilespmem:s19+$0x10]  }
0x4f: {  	v6 =	vld [tilespmem:s20+$0x10];
	[tilespmem:s21+$0xFFFFFFD0] =	vst v2;
	v1 =	vadd.f32 v3, v1  }
0x50: {  	v2 =	vld [tilespmem:s19+$0xFFFFFFA0]  }
0x51: {  	v3 =	vld [tilespmem:s20+$0xFFFFFFA0];
	[tilespmem:s21+$0xFFFFFF50] =	vst v1  }
0x52: {  	v1 =	vld [tilespmem:s19+$0xFFFFFF20];
	v0 =	vadd.f32 v4, v0  }
0x53: {  	v4 =	vld [tilespmem:s20+$0xFFFFFF20]  }
0x54: {  	v5 =	vadd.f32 v6, v5;
	[tilespmem:s21+$0xE0] =	vst v0  }
0x55: {  	v0 =	vld [tilespmem:s19+$0xB0]  }
0x56: {  	[tilespmem:s21+$0x50] =	vst v5;
	v2 =	vadd.f32 v3, v2;
	v3 =	vld [tilespmem:s20+$0xB0]  }
0x57: {  	v5 =	vld [tilespmem:s19+$0x20]  }
0x58: {  	[tilespmem:s21+$0xFFFFFFE0] =	vst v2;
	v2 =	vld [tilespmem:s20+$0x20];
	v1 =	vadd.f32 v4, v1  }
0x59: {  	v4 =	vld [tilespmem:s19+$0xFFFFFFB0]  }
0x5a: {  	v6 =	vld [tilespmem:s20+$0xFFFFFFB0];
	[tilespmem:s21+$0xFFFFFF60] =	vst v1  }
0x5b: {  	v1 =	vld [tilespmem:s19+$0xFFFFFF30];
	v0 =	vadd.f32 v3, v0  }
0x5c: {  	v3 =	vld [tilespmem:s20+$0xFFFFFF30]  }
0x5d: {  	v2 =	vadd.f32 v2, v5;
	[tilespmem:s21+$0xF0] =	vst v0  }
0x5e: {  	v0 =	vld [tilespmem:s19+$0xC0]  }
0x5f: {  	v4 =	vadd.f32 v6, v4;
	[tilespmem:s21+$0x60] =	vst v2;
	v2 =	vld [tilespmem:s20+$0xC0]  }
0x60: {  	v5 =	vld [tilespmem:s19+$0x30]  }
0x61: {  	[tilespmem:s21+$0xFFFFFFF0] =	vst v4;
	v1 =	vadd.f32 v3, v1;
	v3 =	vld [tilespmem:s20+$0x30]  }
0x62: {  	v4 =	vld [tilespmem:s19+$0xFFFFFFC0]  }
0x63: {  	[tilespmem:s21+$0xFFFFFF70] =	vst v1;
	v1 =	vld [tilespmem:s20+$0xFFFFFFC0]  }
0x64: {  	v6 =	vld [tilespmem:s19+$0xFFFFFF40];
	v0 =	vadd.f32 v2, v0  }
0x65: {  	v2 =	vld [tilespmem:s20+$0xFFFFFF40]  }
0x66: {  	v3 =	vadd.f32 v3, v5;
	[tilespmem:s21+$0x100] =	vst v0  }
0x67: {  	v0 =	vld [tilespmem:s19+$0xD0]  }
0x68: {  	v1 =	vadd.f32 v1, v4;
	[tilespmem:s21+$0x70] =	vst v3;
	v3 =	vld [tilespmem:s20+$0xD0]  }
0x69: {  	v4 =	vld [tilespmem:s19+$0x40]  }
0x6a: {  	v2 =	vadd.f32 v2, v6;
	[tilespmem:s21+$0x0] =	vst v1;
	v1 =	vld [tilespmem:s20+$0x40]  }
0x6b: {  	v5 =	vld [tilespmem:s19+$0xFFFFFFD0]  }
0x6c: {  	[tilespmem:s21+$0xFFFFFF80] =	vst v2;
	v2 =	vld [tilespmem:s20+$0xFFFFFFD0]  }
0x6d: {  	v6 =	vld [tilespmem:s19+$0xFFFFFF50];
	v0 =	vadd.f32 v3, v0  }
0x6e: {  	v3 =	vld [tilespmem:s20+$0xFFFFFF50]  }
0x6f: {  	v1 =	vadd.f32 v1, v4;
	[tilespmem:s21+$0x110] =	vst v0  }
0x70: {  	v7 =	vld [tilespmem:s19+$0xE0]  }
0x71: {  	v0 =	vadd.f32 v2, v5;
	v5 =	vld [tilespmem:s20+$0xE0];
	[tilespmem:s21+$0x80] =	vst v1  }
0x72: {  	v1 =	vld [tilespmem:s19+$0x50]  }
0x73: {  	v2 =	vadd.f32 v3, v6;
	[tilespmem:s21+$0x10] =	vst v0;
	v4 =	vld [tilespmem:s20+$0x50]  }
0x74: {  	v0 =	vld [tilespmem:s19+$0xFFFFFFE0]  }
0x75: {  	v3 =	vld [tilespmem:s20+$0xFFFFFFE0];
	[tilespmem:s21+$0xFFFFFF90] =	vst v2  }
0x76: {  	s7 =	simm.s32 $0x0;
	v2 =	vld [tilespmem:s19+$0xFFFFFF60];
	v6 =	vadd.f32 v5, v7  }
0x77: {  	s4 =	simm.s32 $0x6700;
	s10 =	simm.s32 $0x100;
	s1 =	simm.s32 $0x12D40;
	v5 =	vld [tilespmem:s20+$0xFFFFFF60]  }
.LBB2_3:
0x78: {  	v7 =	vld [tilespmem:s4+$0x80];
	v1 =	vadd.f32 v4, v1;
	[tilespmem:s21+$0x120] =	vst v6  }
0x79: {  	v4 =	vld [tilespmem:s19+$0xF0]  }
0x7a: {  	s10 =	sadd.s32 $0x200, s10;
	v0 =	vadd.f32 v3, v0;
	[tilespmem:s21+$0x90] =	vst v1;
	v1 =	vld [tilespmem:s20+$0xF0]  }
0x7b: {  	v3 =	vld [tilespmem:s10+$0x80]  }
0x7c: {  	v6 =	vld [tilespmem:s10+$0xFFFFFF00];
	v2 =	vadd.f32 v5, v2;
	[tilespmem:s21+$0x20] =	vst v0  }
0x7d: {  	v0 =	vld [tilespmem:s4+$0xFFFFFF80]  }
0x7e: {  	v5 =	vld [tilespmem:s10+$0xFFFFFF80];
	[tilespmem:s21+$0xFFFFFFA0] =	vst v2  }
0x7f: {  	v2 =	vld [tilespmem:s4+$0x0];
	v1 =	vadd.f32 v1, v4  }
0x80: {  	v4 =	vld [tilespmem:s10+$0x0];
	v3 =	vadd.f32 v3, v7  }
0x81: {  	s21 =	sadd.s32 $0x200, s21;
	v7 =	vld [tilespmem:s4+$0xFFFFFF00];
	[tilespmem:s1+$0x130] =	vst v1  }
0x82: {  	s7 =	sadd.s32 $0x4, s7;
	[tilespmem:s21+$0xC0] =	vst v3;
	v1 =	vld [tilespmem:s19+$0x60]  }
0x83: {  	p1 =	slt.u32 s7, $0xC4;
	v0 =	vadd.f32 v5, v0;
	v3 =	vld [tilespmem:s4+$0x90]  }
0x84: {  	v5 =	vld [tilespmem:s10+$0x90]  }
0x85: {  	[tilespmem:s21+$0xFFFFFFC0] =	vst v0;
	v0 =	vadd.f32 v4, v2;
	v2 =	vld [tilespmem:s20+$0x60]  }
0x86: {  	v4 =	vadd.f32 v6, v7;
	v6 =	vld [tilespmem:s4+$0xFFFFFF90]  }
0x87: {  	v7 =	vld [tilespmem:s10+$0xFFFFFF90];
	[tilespmem:s21+$0x40] =	vst v0  }
0x88: {  	[tilespmem:s21+$0xFFFFFF40] =	vst v4;
	v0 =	vld [tilespmem:s4+$0x10]  }
0x89: {  	v4 =	vld [tilespmem:s4+$0xFFFFFF10];
	v3 =	vadd.f32 v5, v3  }
0x8a: {  	v5 =	vld [tilespmem:s10+$0xFFFFFF10];
	v1 =	vadd.f32 v2, v1  }
0x8b: {  	v2 =	vld [tilespmem:s10+$0x10];
	[tilespmem:s21+$0xD0] =	vst v3  }
0x8c: {  	v3 =	vadd.f32 v7, v6;
	v6 =	vld [tilespmem:s4+$0xA0];
	[tilespmem:s1+$0xA0] =	vst v1  }
0x8d: {  	v1 =	vld [tilespmem:s10+$0xA0]  }
0x8e: {  	[tilespmem:s21+$0xFFFFFFD0] =	vst v3;
	v3 =	vld [tilespmem:s19+$0xFFFFFF70]  }
0x8f: {  	v4 =	vadd.f32 v5, v4;
	v5 =	vld [tilespmem:s4+$0xFFFFFFA0]  }
0x90: {  	v7 =	vld [tilespmem:s10+$0xFFFFFFA0];
	v0 =	vadd.f32 v2, v0  }
0x91: {  	[tilespmem:s21+$0xFFFFFF50] =	vst v4;
	v2 =	vld [tilespmem:s20+$0xFFFFFF70]  }
0x92: {  	v4 =	vld [tilespmem:s4+$0xFFFFFF20];
	[tilespmem:s21+$0x50] =	vst v0;
	v0 =	vadd.f32 v1, v6  }
0x93: {  	v1 =	vld [tilespmem:s10+$0xFFFFFF20]  }
0x94: {  	v6 =	vld [tilespmem:s4+$0x20];
	[tilespmem:s21+$0xE0] =	vst v0  }
0x95: {  	v0 =	vadd.f32 v7, v5;
	v5 =	vld [tilespmem:s4+$0xB0]  }
0x96: {  	v7 =	vld [tilespmem:s10+$0xB0];
	v2 =	vadd.f32 v2, v3  }
0x97: {  	[tilespmem:s21+$0xFFFFFFE0] =	vst v0;
	v0 =	vld [tilespmem:s10+$0x20]  }
0x98: {  	v1 =	vadd.f32 v1, v4;
	v3 =	vld [tilespmem:s4+$0xFFFFFFB0];
	[tilespmem:s1+$0xFFFFFFB0] =	vst v2  }
0x99: {  	v2 =	vld [tilespmem:s10+$0xFFFFFFB0]  }
0x9a: {  	[tilespmem:s21+$0xFFFFFF60] =	vst v1;
	v1 =	vld [tilespmem:s19+$0xFFFFFFF0]  }
0x9b: {  	v4 =	vld [tilespmem:s4+$0xFFFFFF30];
	v5 =	vadd.f32 v7, v5  }
0x9c: {  	v7 =	vld [tilespmem:s10+$0xFFFFFF30];
	v0 =	vadd.f32 v0, v6  }
0x9d: {  	[tilespmem:s21+$0xF0] =	vst v5;
	v5 =	vld [tilespmem:s20+$0xFFFFFFF0]  }
0x9e: {  	v2 =	vadd.f32 v2, v3;
	[tilespmem:s21+$0x60] =	vst v0;
	v0 =	vld [tilespmem:s4+$0xC0]  }
0x9f: {  	v3 =	vld [tilespmem:s10+$0xC0]  }
0xa0: {  	[tilespmem:s21+$0xFFFFFFF0] =	vst v2;
	v2 =	vld [tilespmem:s4+$0x30]  }
0xa1: {  	v4 =	vadd.f32 v7, v4;
	v6 =	vld [tilespmem:s10+$0x30]  }
0xa2: {  	v7 =	vld [tilespmem:s4+$0xFFFFFFC0];
	v1 =	vadd.f32 v5, v1  }
0xa3: {  	[tilespmem:s21+$0xFFFFFF70] =	vst v4;
	v4 =	vld [tilespmem:s10+$0xFFFFFFC0]  }
0xa4: {  	v5 =	vld [tilespmem:s4+$0xFFFFFF40];
	v0 =	vadd.f32 v3, v0;
	[tilespmem:s1+$0x30] =	vst v1  }
0xa5: {  	v1 =	vld [tilespmem:s10+$0xFFFFFF40]  }
0xa6: {  	v2 =	vadd.f32 v6, v2;
	[tilespmem:s21+$0x100] =	vst v0;
	v3 =	vld [tilespmem:s19+$0x70];
	s19 =	smov.u32 s4  }
0xa7: {  	v0 =	vld [tilespmem:s4+$0xD0]  }
0xa8: {  	v4 =	vadd.f32 v4, v7;
	[tilespmem:s21+$0x70] =	vst v2;
	v2 =	vld [tilespmem:s10+$0xD0]  }
0xa9: {  	v6 =	vld [tilespmem:s4+$0x40]  }
0xaa: {  	v1 =	vadd.f32 v1, v5;
	[tilespmem:s21+$0x0] =	vst v4;
	v4 =	vld [tilespmem:s10+$0x40]  }
0xab: {  	v5 =	vld [tilespmem:s4+$0xFFFFFFD0]  }
0xac: {  	[tilespmem:s21+$0xFFFFFF80] =	vst v1;
	v1 =	vld [tilespmem:s10+$0xFFFFFFD0]  }
0xad: {  	v7 =	vld [tilespmem:s4+$0xFFFFFF50];
	v0 =	vadd.f32 v2, v0  }
0xae: {  	v2 =	vld [tilespmem:s10+$0xFFFFFF50]  }
0xaf: {  	v4 =	vadd.f32 v4, v6;
	[tilespmem:s21+$0x110] =	vst v0;
	v6 =	vld [tilespmem:s20+$0x70];
	s20 =	smov.u32 s10  }
0xb0: {  	v8 =	vld [tilespmem:s4+$0xE0]  }
0xb1: {  	v0 =	vadd.f32 v1, v5;
	[tilespmem:s21+$0x80] =	vst v4;
	v5 =	vld [tilespmem:s10+$0xE0]  }
0xb2: {  	v1 =	vld [tilespmem:s4+$0x50]  }
.Ltmp0:
0xb3: {  	v2 =	vadd.f32 v2, v7;
	[tilespmem:s21+$0x10] =	vst v0;
	v4 =	vld [tilespmem:s10+$0x50];
	(pc) =	sbr.rel @p1 .LBB2_3-.Ltmp0, $4  }
0xb4: {  	v0 =	vld [tilespmem:s4+$0xFFFFFFE0];
	v7 =	vadd.f32 v6, v3  }
0xb5: {  	[tilespmem:s21+$0xFFFFFF90] =	vst v2;
	v3 =	vld [tilespmem:s10+$0xFFFFFFE0]  }
0xb6: {  	v2 =	vld [tilespmem:s4+$0xFFFFFF60];
	v6 =	vadd.f32 v5, v8;
	[tilespmem:s1+$0xB0] =	vst v7;
	s1 =	smov.u32 s21  }
0xb7: {  	s4 =	sadd.s32 $0x200, s4;
	v5 =	vld [tilespmem:s10+$0xFFFFFF60]  }
0xb8: {  	v1 =	vadd.f32 v4, v1;
	_ =	sdelay $0x1  }
0xb9: {  	[tilespmem:s21+$0x90] =	vst v1  }
0xba: {  	v1 =	vld [tilespmem:s19+$0x60]  }
0xbb: {  	v4 =	vld [tilespmem:s20+$0x60]  }
0xbc: {  	[tilespmem:s21+$0x120] =	vst v6;
	v2 =	vadd.f32 v5, v2  }
0xbd: {  	v0 =	vadd.f32 v3, v0;
	v3 =	vld [tilespmem:s20+$0xF0]  }
0xbe: {  	v5 =	vld [tilespmem:s19+$0xF0];
	[tilespmem:s21+$0xFFFFFFA0] =	vst v2  }
0xbf: {  	v2 =	vld [tilespmem:s19+$0xFFFFFF70]  }
0xc0: {  	[tilespmem:s21+$0x20] =	vst v0;
	v0 =	vadd.f32 v4, v1;
	v1 =	vld [tilespmem:s20+$0xFFFFFF70]  }
0xc1: {  	v4 =	vld [tilespmem:s19+$0xFFFFFFF0]  }
0xc2: {  	[tilespmem:s1+$0xA0] =	vst v0;
	v0 =	vld [tilespmem:s20+$0xFFFFFFF0]  }
0xc3: {  	v6 =	vld [tilespmem:s19+$0x70]  }
0xc4: {  	v7 =	vld [tilespmem:s20+$0x70];
	_ =	sdelay $0x1  }
0xc5: {  	v3 =	vadd.f32 v3, v5  }
0xc6: {  	p1 =	seq.s32 s31, $0xF;
	v1 =	vadd.f32 v1, v2  }
0xc7: {  	s4 =	sadd.s32 @!p1 s3, s11;
	[tilespmem:s1+$0x130] =	vst v3;
	v0 =	vadd.f32 v0, v4  }
0xc8: {  	s4 =	smul.u32 @!p1 $0xC80, s4;
	[tilespmem:s1+$0xFFFFFFB0] =	vst v1;
	v1 =	vadd.f32 v7, v6  }
0xc9: {  	[tilespmem:s1+$0x30] =	vst v0  }
0xca: {  	s7 =	simm.s32 @!p1 $0x6400;
	[tilespmem:s1+$0xB0] =	vst v1;
	s1 =	sadd.s32 @!p1 s0, s4;
	s4 =	simm.s32 @!p1 $0x0  }
0xcb: {  	[tilespmem:s7], [sflag:$0x1] =	stream.linear.gather @!p1 [hbm4b:s1+s4], $0x6400, $0x38;
	[tilespmem:$0x1FF40] =	vst v63  }
0xcc: {  	s21 =	sadd.s32 $0x2000, s18  }
0xcd: {  	[hbm4b:s18+s5] =	stream.linear.scatter [tilespmem:s15], [sflag:$0x3], $0x6800, $0x38;
	[tilespmem:$0x1FF40] =	vst v63  }
0xce: {  	[hbm:s21], [sflag:s22] =	dma.local [spmem:s23], $0x5D0  }
0xcf: {  	_ =	swait.ge [sflag:s25], $0x6400  }
0xd0: {  	[sflag:s25] =	ssyncset.done $0x0  }
0xd1: {  	s1 =	simm.s32 @!p2 $0x4;
	[sflag:s25] =	ssyncadd.s32 $0xFFFF9C00  }
0xd2: {  	_ =	swait.ge @!p2 [sflag:s1], $0x6800  }
0xd3: {  	[sflag:s1] =	ssyncset.done @!p2 $0x0  }
0xd4: {  	s18 =	simm.s32 $0xC900;
	[sflag:s1] =	ssyncadd.s32 @!p2 $0xFFFF9800  }
0xd5: {  	s19 =	simm.s32 $0x100;
	v0 =	vld [tilespmem:s18+$0x80]  }
0xd6: {  	v1 =	vld [tilespmem:s19+$0x80];
	_ =	sdelay $0x2  }
0xd7: {  	v2 =	vld [tilespmem:s18+$0xFFFFFF80]  }
0xd8: {  	v3 =	vld [tilespmem:s19+$0xFFFFFF80]  }
0xd9: {  	v4 =	vld [tilespmem:s19+$0xFFFFFF00];
	v0 =	vadd.f32 v1, v0  }
0xda: {  	s20 =	simm.s32 $0x19540;
	v1 =	vld [tilespmem:s18+$0xFFFFFF00]  }
0xdb: {  	[tilespmem:s20+$0xC0] =	vst v0  }
0xdc: {  	v0 =	vld [tilespmem:s18+$0x90]  }
0xdd: {  	v2 =	vadd.f32 v3, v2;
	v3 =	vld [tilespmem:s19+$0x90]  }
0xde: {  	v5 =	vld [tilespmem:s18+$0x0]  }
0xdf: {  	v6 =	vld [tilespmem:s19+$0x0];
	[tilespmem:s20+$0xFFFFFFC0] =	vst v2;
	v1 =	vadd.f32 v4, v1  }
0xe0: {  	v2 =	vld [tilespmem:s18+$0xFFFFFF90]  }
0xe1: {  	v4 =	vld [tilespmem:s19+$0xFFFFFF90];
	[tilespmem:s20+$0xFFFFFF40] =	vst v1  }
0xe2: {  	v1 =	vld [tilespmem:s18+$0xFFFFFF10];
	v0 =	vadd.f32 v3, v0  }
0xe3: {  	v3 =	vld [tilespmem:s19+$0xFFFFFF10]  }
0xe4: {  	v5 =	vadd.f32 v6, v5;
	[tilespmem:s20+$0xD0] =	vst v0  }
0xe5: {  	v0 =	vld [tilespmem:s18+$0xA0]  }
0xe6: {  	[tilespmem:s20+$0x40] =	vst v5;
	v2 =	vadd.f32 v4, v2;
	v4 =	vld [tilespmem:s19+$0xA0]  }
0xe7: {  	v5 =	vld [tilespmem:s18+$0x10]  }
0xe8: {  	v6 =	vld [tilespmem:s19+$0x10];
	[tilespmem:s20+$0xFFFFFFD0] =	vst v2;
	v1 =	vadd.f32 v3, v1  }
0xe9: {  	v2 =	vld [tilespmem:s18+$0xFFFFFFA0]  }
0xea: {  	v3 =	vld [tilespmem:s19+$0xFFFFFFA0];
	[tilespmem:s20+$0xFFFFFF50] =	vst v1  }
0xeb: {  	v1 =	vld [tilespmem:s18+$0xFFFFFF20];
	v0 =	vadd.f32 v4, v0  }
0xec: {  	v4 =	vld [tilespmem:s19+$0xFFFFFF20]  }
0xed: {  	v5 =	vadd.f32 v6, v5;
	[tilespmem:s20+$0xE0] =	vst v0  }
0xee: {  	v0 =	vld [tilespmem:s18+$0xB0]  }
0xef: {  	[tilespmem:s20+$0x50] =	vst v5;
	v2 =	vadd.f32 v3, v2;
	v3 =	vld [tilespmem:s19+$0xB0]  }
0xf0: {  	v5 =	vld [tilespmem:s18+$0x20]  }
0xf1: {  	[tilespmem:s20+$0xFFFFFFE0] =	vst v2;
	v2 =	vld [tilespmem:s19+$0x20];
	v1 =	vadd.f32 v4, v1  }
0xf2: {  	v4 =	vld [tilespmem:s18+$0xFFFFFFB0]  }
0xf3: {  	v6 =	vld [tilespmem:s19+$0xFFFFFFB0];
	[tilespmem:s20+$0xFFFFFF60] =	vst v1  }
0xf4: {  	v1 =	vld [tilespmem:s18+$0xFFFFFF30];
	v0 =	vadd.f32 v3, v0  }
0xf5: {  	v3 =	vld [tilespmem:s19+$0xFFFFFF30]  }
0xf6: {  	v2 =	vadd.f32 v2, v5;
	[tilespmem:s20+$0xF0] =	vst v0  }
0xf7: {  	v0 =	vld [tilespmem:s18+$0xC0]  }
0xf8: {  	v4 =	vadd.f32 v6, v4;
	[tilespmem:s20+$0x60] =	vst v2;
	v2 =	vld [tilespmem:s19+$0xC0]  }
0xf9: {  	v5 =	vld [tilespmem:s18+$0x30]  }
0xfa: {  	[tilespmem:s20+$0xFFFFFFF0] =	vst v4;
	v1 =	vadd.f32 v3, v1;
	v3 =	vld [tilespmem:s19+$0x30]  }
0xfb: {  	v4 =	vld [tilespmem:s18+$0xFFFFFFC0]  }
0xfc: {  	[tilespmem:s20+$0xFFFFFF70] =	vst v1;
	v1 =	vld [tilespmem:s19+$0xFFFFFFC0]  }
0xfd: {  	v6 =	vld [tilespmem:s18+$0xFFFFFF40];
	v0 =	vadd.f32 v2, v0  }
0xfe: {  	v2 =	vld [tilespmem:s19+$0xFFFFFF40]  }
0xff: {  	v3 =	vadd.f32 v3, v5;
	[tilespmem:s20+$0x100] =	vst v0  }
0x100: {  	v0 =	vld [tilespmem:s18+$0xD0]  }
0x101: {  	v1 =	vadd.f32 v1, v4;
	[tilespmem:s20+$0x70] =	vst v3;
	v3 =	vld [tilespmem:s19+$0xD0]  }
0x102: {  	v4 =	vld [tilespmem:s18+$0x40]  }
0x103: {  	v2 =	vadd.f32 v2, v6;
	[tilespmem:s20+$0x0] =	vst v1;
	v1 =	vld [tilespmem:s19+$0x40]  }
0x104: {  	v5 =	vld [tilespmem:s18+$0xFFFFFFD0]  }
0x105: {  	[tilespmem:s20+$0xFFFFFF80] =	vst v2;
	v2 =	vld [tilespmem:s19+$0xFFFFFFD0]  }
0x106: {  	v6 =	vld [tilespmem:s18+$0xFFFFFF50];
	v0 =	vadd.f32 v3, v0  }
0x107: {  	v3 =	vld [tilespmem:s19+$0xFFFFFF50]  }
0x108: {  	v1 =	vadd.f32 v1, v4;
	[tilespmem:s20+$0x110] =	vst v0  }
0x109: {  	v7 =	vld [tilespmem:s18+$0xE0]  }
0x10a: {  	v0 =	vadd.f32 v2, v5;
	v5 =	vld [tilespmem:s19+$0xE0];
	[tilespmem:s20+$0x80] =	vst v1  }
0x10b: {  	v1 =	vld [tilespmem:s18+$0x50]  }
0x10c: {  	v2 =	vadd.f32 v3, v6;
	[tilespmem:s20+$0x10] =	vst v0;
	v4 =	vld [tilespmem:s19+$0x50]  }
0x10d: {  	v0 =	vld [tilespmem:s18+$0xFFFFFFE0]  }
0x10e: {  	v3 =	vld [tilespmem:s19+$0xFFFFFFE0];
	[tilespmem:s20+$0xFFFFFF90] =	vst v2  }
0x10f: {  	s2 =	sadd.s32 $0x9800, s2;
	s10 =	simm.s32 $0x100;
	v2 =	vld [tilespmem:s18+$0xFFFFFF60];
	v6 =	vadd.f32 v5, v7  }
0x110: {  	s7 =	simm.s32 $0x0;
	s4 =	simm.s32 $0xCB00;
	s1 =	simm.s32 $0x19540;
	v5 =	vld [tilespmem:s19+$0xFFFFFF60]  }
.LBB2_5:
0x111: {  	v7 =	vld [tilespmem:s4+$0x80];
	v1 =	vadd.f32 v4, v1;
	[tilespmem:s20+$0x120] =	vst v6  }
0x112: {  	v4 =	vld [tilespmem:s18+$0xF0]  }
0x113: {  	s10 =	sadd.s32 $0x200, s10;
	v0 =	vadd.f32 v3, v0;
	[tilespmem:s20+$0x90] =	vst v1;
	v1 =	vld [tilespmem:s19+$0xF0]  }
0x114: {  	v3 =	vld [tilespmem:s10+$0x80]  }
0x115: {  	v6 =	vld [tilespmem:s10+$0xFFFFFF00];
	v2 =	vadd.f32 v5, v2;
	[tilespmem:s20+$0x20] =	vst v0  }
0x116: {  	v0 =	vld [tilespmem:s4+$0xFFFFFF80]  }
0x117: {  	v5 =	vld [tilespmem:s10+$0xFFFFFF80];
	[tilespmem:s20+$0xFFFFFFA0] =	vst v2  }
0x118: {  	v2 =	vld [tilespmem:s4+$0x0];
	v1 =	vadd.f32 v1, v4  }
0x119: {  	v4 =	vld [tilespmem:s10+$0x0];
	v3 =	vadd.f32 v3, v7  }
0x11a: {  	s20 =	sadd.s32 $0x200, s20;
	v7 =	vld [tilespmem:s4+$0xFFFFFF00];
	[tilespmem:s1+$0x130] =	vst v1  }
0x11b: {  	s7 =	sadd.s32 $0x4, s7;
	[tilespmem:s20+$0xC0] =	vst v3;
	v1 =	vld [tilespmem:s18+$0x60]  }
0x11c: {  	p2 =	slt.u32 s7, $0xC4;
	v0 =	vadd.f32 v5, v0;
	v3 =	vld [tilespmem:s4+$0x90]  }
0x11d: {  	v5 =	vld [tilespmem:s10+$0x90]  }
0x11e: {  	[tilespmem:s20+$0xFFFFFFC0] =	vst v0;
	v0 =	vadd.f32 v4, v2;
	v2 =	vld [tilespmem:s19+$0x60]  }
0x11f: {  	v4 =	vadd.f32 v6, v7;
	v6 =	vld [tilespmem:s4+$0xFFFFFF90]  }
0x120: {  	v7 =	vld [tilespmem:s10+$0xFFFFFF90];
	[tilespmem:s20+$0x40] =	vst v0  }
0x121: {  	[tilespmem:s20+$0xFFFFFF40] =	vst v4;
	v0 =	vld [tilespmem:s4+$0x10]  }
0x122: {  	v4 =	vld [tilespmem:s4+$0xFFFFFF10];
	v3 =	vadd.f32 v5, v3  }
0x123: {  	v5 =	vld [tilespmem:s10+$0xFFFFFF10];
	v1 =	vadd.f32 v2, v1  }
0x124: {  	v2 =	vld [tilespmem:s10+$0x10];
	[tilespmem:s20+$0xD0] =	vst v3  }
0x125: {  	v3 =	vadd.f32 v7, v6;
	v6 =	vld [tilespmem:s4+$0xA0];
	[tilespmem:s1+$0xA0] =	vst v1  }
0x126: {  	v1 =	vld [tilespmem:s10+$0xA0]  }
0x127: {  	[tilespmem:s20+$0xFFFFFFD0] =	vst v3;
	v3 =	vld [tilespmem:s18+$0xFFFFFF70]  }
0x128: {  	v4 =	vadd.f32 v5, v4;
	v5 =	vld [tilespmem:s4+$0xFFFFFFA0]  }
0x129: {  	v7 =	vld [tilespmem:s10+$0xFFFFFFA0];
	v0 =	vadd.f32 v2, v0  }
0x12a: {  	[tilespmem:s20+$0xFFFFFF50] =	vst v4;
	v2 =	vld [tilespmem:s19+$0xFFFFFF70]  }
0x12b: {  	v4 =	vld [tilespmem:s4+$0xFFFFFF20];
	[tilespmem:s20+$0x50] =	vst v0;
	v0 =	vadd.f32 v1, v6  }
0x12c: {  	v1 =	vld [tilespmem:s10+$0xFFFFFF20]  }
0x12d: {  	v6 =	vld [tilespmem:s4+$0x20];
	[tilespmem:s20+$0xE0] =	vst v0  }
0x12e: {  	v0 =	vadd.f32 v7, v5;
	v5 =	vld [tilespmem:s4+$0xB0]  }
0x12f: {  	v7 =	vld [tilespmem:s10+$0xB0];
	v2 =	vadd.f32 v2, v3  }
0x130: {  	[tilespmem:s20+$0xFFFFFFE0] =	vst v0;
	v0 =	vld [tilespmem:s10+$0x20]  }
0x131: {  	v1 =	vadd.f32 v1, v4;
	v3 =	vld [tilespmem:s4+$0xFFFFFFB0];
	[tilespmem:s1+$0xFFFFFFB0] =	vst v2  }
0x132: {  	v2 =	vld [tilespmem:s10+$0xFFFFFFB0]  }
0x133: {  	[tilespmem:s20+$0xFFFFFF60] =	vst v1;
	v1 =	vld [tilespmem:s18+$0xFFFFFFF0]  }
0x134: {  	v4 =	vld [tilespmem:s4+$0xFFFFFF30];
	v5 =	vadd.f32 v7, v5  }
0x135: {  	v7 =	vld [tilespmem:s10+$0xFFFFFF30];
	v0 =	vadd.f32 v0, v6  }
0x136: {  	[tilespmem:s20+$0xF0] =	vst v5;
	v5 =	vld [tilespmem:s19+$0xFFFFFFF0]  }
0x137: {  	v2 =	vadd.f32 v2, v3;
	[tilespmem:s20+$0x60] =	vst v0;
	v0 =	vld [tilespmem:s4+$0xC0]  }
0x138: {  	v3 =	vld [tilespmem:s10+$0xC0]  }
0x139: {  	[tilespmem:s20+$0xFFFFFFF0] =	vst v2;
	v2 =	vld [tilespmem:s4+$0x30]  }
0x13a: {  	v4 =	vadd.f32 v7, v4;
	v6 =	vld [tilespmem:s10+$0x30]  }
0x13b: {  	v7 =	vld [tilespmem:s4+$0xFFFFFFC0];
	v1 =	vadd.f32 v5, v1  }
0x13c: {  	[tilespmem:s20+$0xFFFFFF70] =	vst v4;
	v4 =	vld [tilespmem:s10+$0xFFFFFFC0]  }
0x13d: {  	v5 =	vld [tilespmem:s4+$0xFFFFFF40];
	v0 =	vadd.f32 v3, v0;
	[tilespmem:s1+$0x30] =	vst v1  }
0x13e: {  	v1 =	vld [tilespmem:s10+$0xFFFFFF40]  }
0x13f: {  	v2 =	vadd.f32 v6, v2;
	[tilespmem:s20+$0x100] =	vst v0;
	v3 =	vld [tilespmem:s18+$0x70];
	s18 =	smov.u32 s4  }
0x140: {  	v0 =	vld [tilespmem:s4+$0xD0]  }
0x141: {  	v4 =	vadd.f32 v4, v7;
	[tilespmem:s20+$0x70] =	vst v2;
	v2 =	vld [tilespmem:s10+$0xD0]  }
0x142: {  	v6 =	vld [tilespmem:s4+$0x40]  }
0x143: {  	v1 =	vadd.f32 v1, v5;
	[tilespmem:s20+$0x0] =	vst v4;
	v4 =	vld [tilespmem:s10+$0x40]  }
0x144: {  	v5 =	vld [tilespmem:s4+$0xFFFFFFD0]  }
0x145: {  	[tilespmem:s20+$0xFFFFFF80] =	vst v1;
	v1 =	vld [tilespmem:s10+$0xFFFFFFD0]  }
0x146: {  	v7 =	vld [tilespmem:s4+$0xFFFFFF50];
	v0 =	vadd.f32 v2, v0  }
0x147: {  	v2 =	vld [tilespmem:s10+$0xFFFFFF50]  }
0x148: {  	v4 =	vadd.f32 v4, v6;
	[tilespmem:s20+$0x110] =	vst v0;
	v6 =	vld [tilespmem:s19+$0x70];
	s19 =	smov.u32 s10  }
0x149: {  	v8 =	vld [tilespmem:s4+$0xE0]  }
0x14a: {  	v0 =	vadd.f32 v1, v5;
	[tilespmem:s20+$0x80] =	vst v4;
	v5 =	vld [tilespmem:s10+$0xE0]  }
0x14b: {  	v1 =	vld [tilespmem:s4+$0x50]  }
.Ltmp1:
0x14c: {  	v2 =	vadd.f32 v2, v7;
	[tilespmem:s20+$0x10] =	vst v0;
	v4 =	vld [tilespmem:s10+$0x50];
	(pc) =	sbr.rel @p2 .LBB2_5-.Ltmp1, $4  }
0x14d: {  	v0 =	vld [tilespmem:s4+$0xFFFFFFE0];
	v7 =	vadd.f32 v6, v3  }
0x14e: {  	[tilespmem:s20+$0xFFFFFF90] =	vst v2;
	v3 =	vld [tilespmem:s10+$0xFFFFFFE0]  }
0x14f: {  	v2 =	vld [tilespmem:s4+$0xFFFFFF60];
	v6 =	vadd.f32 v5, v8;
	[tilespmem:s1+$0xB0] =	vst v7;
	s1 =	smov.u32 s20  }
0x150: {  	s4 =	sadd.s32 $0x200, s4;
	v5 =	vld [tilespmem:s10+$0xFFFFFF60]  }
0x151: {  	v1 =	vadd.f32 v4, v1;
	_ =	sdelay $0x1  }
0x152: {  	[tilespmem:s20+$0x90] =	vst v1  }
0x153: {  	v1 =	vld [tilespmem:s18+$0x60]  }
0x154: {  	v55 =	vld [tilespmem:s19+$0x60]  }
0x155: {  	[tilespmem:s20+$0x120] =	vst v6;
	v0 =	vadd.f32 v3, v0  }
0x156: {  	v56 =	vld [tilespmem:s18+$0xF0]  }
0x157: {  	v57 =	vld [tilespmem:s19+$0xF0];
	v2 =	vadd.f32 v5, v2;
	[tilespmem:s20+$0x20] =	vst v0  }
0x158: {  	v60 =	vld [tilespmem:s18+$0xFFFFFFF0]  }
0x159: {  	v61 =	vld [tilespmem:s19+$0xFFFFFFF0];
	[tilespmem:s20+$0xFFFFFFA0] =	vst v2;
	v58 =	vadd.f32 v55, v1  }
0x15a: {  	v2 =	vld [tilespmem:s18+$0xFFFFFF70]  }
0x15b: {  	v59 =	vld [tilespmem:s19+$0xFFFFFF70];
	[tilespmem:s1+$0xA0] =	vst v58  }
0x15c: {  	v62 =	vld [tilespmem:s18+$0x70]  }
0x15d: {  	v7 =	vld [tilespmem:s19+$0x70];
	_ =	sdelay $0x1  }
0x15e: {  	v3 =	vadd.f32 v57, v56  }
0x15f: {  	v0 =	vadd.f32 v61, v60  }
0x160: {  	s3 =	sadd.s32 @!p1 s3, s12;
	[tilespmem:s1+$0x130] =	vst v3;
	v1 =	vadd.f32 v59, v2  }
0x161: {  	s3 =	smul.u32 @!p1 $0xC80, s3;
	[tilespmem:s1+$0x30] =	vst v0;
	v63 =	vadd.f32 v7, v62  }
0x162: {  	s4 =	simm.s32 @!p1 $0xC800;
	[tilespmem:s1+$0xFFFFFFB0] =	vst v1  }
0x163: {  	s31 =	sadd.s32 $0x1, s31;
	[tilespmem:s1+$0xB0] =	vst v63;
	s1 =	sadd.s32 @!p1 s0, s3;
	s3 =	simm.s32 @!p1 $0x0  }
0x164: {  	[tilespmem:s4], [sflag:$0x2] =	stream.linear.gather @!p1 [hbm4b:s1+s3], $0x6400, $0x38;
	[tilespmem:$0x1FF40] =	vst v63  }
0x165: {  	p1 =	sne.s32 s31, $0x10  }
.Ltmp2:
0x166: {  	_ = 	snop;
	(pc) =	sbr.rel @p1 .LBB2_2-.Ltmp2, $4  }
0x167: {  	_ = 	snop  }
0x168: {  	s21 =	sshrl.u32 s2, $0x3  }
0x169: {  	s1 =	sadd.s32 s9, s21  }
0x16a: {  	[hbm4b:s1+s5] =	stream.linear.scatter [tilespmem:s16], [sflag:$0x4], $0x6800, $0x38;
	[tilespmem:$0x1FF40] =	vst v63  }
0x16b: {  	_ =	swait.ge [sflag:s26], $0x6800  }
0x16c: {  	[sflag:s26] =	ssyncset.done $0x0  }
0x16d: {  	[sflag:s26] =	ssyncadd.s32 $0xFFFF9800  }
0x16e: {  	_ =	swait.ge [sflag:s28], $0x6800  }
0x16f: {  	[sflag:s28] =	ssyncset.done $0x0  }
0x170: {  	[sflag:s28] =	ssyncadd.s32 $0xFFFF9800  }
0x171: {  	_ =	swait.ge [sflag:s29], $0x5D0  }
0x172: {  	[sflag:s29] =	ssyncset.done $0x0  }
0x173: {  	[sflag:s29] =	ssyncadd.s32 $0xFFFFFA30  }
0x174: {  	_ =	swait.ge [sflag:s29], $0x5D0  }
0x175: {  	[sflag:s29] =	ssyncset.done $0x0  }
0x176: {  	[sflag:s29] =	ssyncadd.s32 $0xFFFFFA30  }
0x177: {  	_ =	swait.ge [sflag:s29], $0x5D0  }
0x178: {  	[sflag:s29] =	ssyncset.done $0x0  }
0x179: {  	[sflag:s29] =	ssyncadd.s32 $0xFFFFFA30  }
0x17a: {  	_ =	swait.ge [sflag:s29], $0x5D0  }
0x17b: {  	[sflag:s29] =	ssyncset.done $0x0  }
0x17c: {  	[sflag:s29] =	ssyncadd.s32 $0xFFFFFA30  }
0x17d: {  	_ =	swait.ge [sflag:s29], $0x5D0  }
0x17e: {  	[sflag:s29] =	ssyncset.done $0x0  }
0x17f: {  	[sflag:s29] =	ssyncadd.s32 $0xFFFFFA30  }
0x180: {  	_ =	swait.ge [sflag:s29], $0x5D0  }
0x181: {  	[sflag:s29] =	ssyncset.done $0x0  }
0x182: {  	[sflag:s29] =	ssyncadd.s32 $0xFFFFFA30  }
0x183: {  	_ =	swait.ge [sflag:s29], $0x5D0  }
0x184: {  	[sflag:s29] =	ssyncset.done $0x0  }
0x185: {  	[sflag:s29] =	ssyncadd.s32 $0xFFFFFA30  }
0x186: {  	_ =	swait.ge [sflag:s29], $0x5D0  }
0x187: {  	[sflag:s29] =	ssyncset.done $0x0  }
0x188: {  	[sflag:s29] =	ssyncadd.s32 $0xFFFFFA30  }
0x189: {  	_ =	swait.ge [sflag:s29], $0x5D0  }
0x18a: {  	[sflag:s29] =	ssyncset.done $0x0  }
0x18b: {  	[sflag:s29] =	ssyncadd.s32 $0xFFFFFA30  }
0x18c: {  	_ =	swait.ge [sflag:s29], $0x5D0  }
0x18d: {  	[sflag:s29] =	ssyncset.done $0x0  }
0x18e: {  	[sflag:s29] =	ssyncadd.s32 $0xFFFFFA30  }
0x18f: {  	_ =	swait.ge [sflag:s29], $0x5D0  }
0x190: {  	[sflag:s29] =	ssyncset.done $0x0  }
0x191: {  	[sflag:s29] =	ssyncadd.s32 $0xFFFFFA30  }
0x192: {  	_ =	swait.ge [sflag:s29], $0x5D0  }
0x193: {  	[sflag:s29] =	ssyncset.done $0x0  }
0x194: {  	[sflag:s29] =	ssyncadd.s32 $0xFFFFFA30  }
0x195: {  	_ =	swait.ge [sflag:s29], $0x5D0  }
0x196: {  	[sflag:s29] =	ssyncset.done $0x0  }
0x197: {  	[sflag:s29] =	ssyncadd.s32 $0xFFFFFA30  }
0x198: {  	_ =	swait.ge [sflag:s29], $0x5D0  }
0x199: {  	[sflag:s29] =	ssyncset.done $0x0  }
0x19a: {  	[sflag:s29] =	ssyncadd.s32 $0xFFFFFA30  }
0x19b: {  	_ =	swait.ge [sflag:s29], $0x5D0  }
0x19c: {  	[sflag:s29] =	ssyncset.done $0x0  }
0x19d: {  	[sflag:s29] =	ssyncadd.s32 $0xFFFFFA30  }
0x19e: {  	_ =	swait.ge [sflag:s29], $0x5D0  }
0x19f: {  	[sflag:s29] =	ssyncset.done $0x0  }
0x1a0: {  	[sflag:s29] =	ssyncadd.s32 $0xFFFFFA30  }
0x1a1: {  	_ =	swait.ge [sflag:s29], $0x5D0  }
0x1a2: {  	[sflag:s29] =	ssyncset.done $0x0  }
0x1a3: {  	[sflag:s29] =	ssyncadd.s32 $0xFFFFFA30  }
0x1a4: {  	_ =	swait.ge [sflag:s29], $0x5D0  }
0x1a5: {  	[sflag:s29] =	ssyncset.done $0x0  }
0x1a6: {  	[sflag:s29] =	ssyncadd.s32 $0xFFFFFA30  }
0x1a7: {  	_ =	swait.ge [sflag:s29], $0x5D0  }
0x1a8: {  	[sflag:s29] =	ssyncset.done $0x0  }
0x1a9: {  	[sflag:s29] =	ssyncadd.s32 $0xFFFFFA30  }
0x1aa: {  	_ =	swait.ge [sflag:s29], $0x5D0  }
0x1ab: {  	[sflag:s29] =	ssyncset.done $0x0  }
0x1ac: {  	[sflag:s29] =	ssyncadd.s32 $0xFFFFFA30  }
0x1ad: {  	_ =	swait.ge [sflag:s29], $0x5D0  }
0x1ae: {  	[sflag:s29] =	ssyncset.done $0x0  }
0x1af: {  	[sflag:s29] =	ssyncadd.s32 $0xFFFFFA30  }
0x1b0: {  	_ =	swait.ge [sflag:s29], $0x5D0  }
0x1b1: {  	[sflag:s29] =	ssyncset.done $0x0  }
0x1b2: {  	[sflag:s29] =	ssyncadd.s32 $0xFFFFFA30  }
0x1b3: {  	_ =	swait.ge [sflag:s29], $0x5D0  }
0x1b4: {  	[sflag:s29] =	ssyncset.done $0x0  }
0x1b5: {  	[sflag:s29] =	ssyncadd.s32 $0xFFFFFA30  }
0x1b6: {  	_ =	swait.ge [sflag:s29], $0x5D0  }
0x1b7: {  	[sflag:s29] =	ssyncset.done $0x0  }
0x1b8: {  	[sflag:s29] =	ssyncadd.s32 $0xFFFFFA30  }
0x1b9: {  	_ =	swait.ge [sflag:s29], $0x5D0  }
0x1ba: {  	[sflag:s29] =	ssyncset.done $0x0  }
0x1bb: {  	[sflag:s29] =	ssyncadd.s32 $0xFFFFFA30  }
0x1bc: {  	_ =	swait.ge [sflag:s29], $0x5D0  }
0x1bd: {  	[sflag:s29] =	ssyncset.done $0x0  }
0x1be: {  	[sflag:s29] =	ssyncadd.s32 $0xFFFFFA30  }
0x1bf: {  	_ =	swait.ge [sflag:s29], $0x5D0  }
0x1c0: {  	[sflag:s29] =	ssyncset.done $0x0  }
0x1c1: {  	[sflag:s29] =	ssyncadd.s32 $0xFFFFFA30  }
0x1c2: {  	_ =	swait.ge [sflag:s29], $0x5D0  }
0x1c3: {  	[sflag:s29] =	ssyncset.done $0x0  }
0x1c4: {  	[sflag:s29] =	ssyncadd.s32 $0xFFFFFA30  }
0x1c5: {  	_ =	swait.ge [sflag:s29], $0x5D0  }
0x1c6: {  	[sflag:s29] =	ssyncset.done $0x0  }
0x1c7: {  	[sflag:s29] =	ssyncadd.s32 $0xFFFFFA30  }
0x1c8: {  	_ =	swait.ge [sflag:s29], $0x5D0  }
0x1c9: {  	[sflag:s29] =	ssyncset.done $0x0  }
0x1ca: {  	s30 =	sadd.s32 $0x1, s30;
	[sflag:s29] =	ssyncadd.s32 $0xFFFFFA30  }
0x1cb: {  	p1 =	sne.s32 s30, s13;
	_ =	swait.ge [sflag:s29], $0x5D0  }
.Ltmp3:
0x1cc: {  	[sflag:s29] =	ssyncset.done $0x0;
	(pc) =	sbr.rel @p1 .LBB2_1-.Ltmp3, $4  }
0x1cd: {  	[sflag:s29] =	ssyncadd.s32 $0xFFFFFA30  }
0x1ce: {  	_ =	swait.ge [sflag:s29], $0x5D0  }
0x1cf: {  	[sflag:s29] =	ssyncset.done $0x0  }
0x1d0: {  	[sflag:s29] =	ssyncadd.s32 $0xFFFFFA30  }
0x1d1: {  	_ =	sfence.sel $0x180000  }
0x1d2: {  	[bflag:$0x0] =	sbarrier.arrive $0xFFFF  }
0x1d3: {  	_ =	strace $0x90000047  }
0x1d4: {  	[bflag:$0x2] =	sbarrier.arrive $0xFFFF  }
0x1d5: {  	s0 =	rddreg [dreg:$0x5]  }
0x1d6: {  	s0 =	sadd.s32 @!p0 $0x100000, s0  }
0x1d7: {  	[sflag:s0] =	ssyncadd.tile.s32 @!p0 $0x1;
	_ =	shalt  }
.Lfunc_end2:
_tile_overlayer_lowered:
.L_overlay_start_2:
0x1d8: {  	(tag) =	ssettag $0x2  }
0x1d9: {  	s0 =	rddreg [dreg:$0x0];
	s2 =	stileid.u32  }
0x1da: {  	s1 =	rddreg [dreg:$0x1];
	p0 =	sne.s32 s2, $0x0  }
0x1db: {  	s3 =	rddreg [dreg:$0x2];
	[bflag:$0x3] =	sbarrier.arrive $0xFFFF;
	s2 =	simm.s32 @!p0 $0x1C06  }
0x1dc: {  	[timem:s3], [sflag:s2] =	dma.local @!p0 [hbm:s0], s1  }
0x1dd: {  	s0 =	simm.s32 @!p0 $0x6  }
0x1de: {  	_ =	swait.ge @!p0 [sflag:s0], s1  }
0x1df: {  	s1 =	ssub.s32 @!p0 $0x0, s1;
	[sflag:s0] =	ssyncset.done @!p0 $0x0  }
0x1e0: {  	[sflag:s0] =	ssyncadd.s32 @!p0 s1  }
0x1e1: {  	[bflag:$0x3] =	sbarrier.arrive $0xFFFF  }
0x1e2: {  	_ =	shalt  }

</sc_bundles>
